<compile_context>
chip_gen: v7x
topology: tpu7x:2x2x1
jax: 0.10.2.dev20260603
libtpu: 0.0.44.dev20260713+nightly
codegen_flags: <defaults>
</compile_context>

<pallas_src>
import functools

import jax
import jax.numpy as jnp
from jax import lax
from jax.experimental import pallas as pl
from jax.experimental.pallas import tpu as pltpu
from jax.experimental.pallas import tpu_sc as plsc

NC, NS = 2, 16
NW = NC * NS
CH = 88
NSLOT = 2
BLK = 80


def _linear3(h_n, w1, w2, w3, b_all, npad):
    n, d = h_n.shape

    def body(x_ref, w1_ref, w2_ref, w3_ref, b_ref, o1_ref, o2_ref, o3_ref):
        x = x_ref[...]
        b = b_ref[...]
        for w_ref, bi, o_ref in ((w1_ref, 0, o1_ref), (w2_ref, 1, o2_ref),
                                 (w3_ref, 2, o3_ref)):
            y = lax.dot_general(x, w_ref[...], (((1,), (1,)), ((), ())),
                                preferred_element_type=jnp.float32)
            o_ref[...] = y + b[bi][None, :]

    outs = pl.pallas_call(
        body,
        grid=(n // BLK,),
        in_specs=[
            pl.BlockSpec((BLK, d), lambda i: (i, 0)),
            pl.BlockSpec((d, d), lambda i: (0, 0)),
            pl.BlockSpec((d, d), lambda i: (0, 0)),
            pl.BlockSpec((d, d), lambda i: (0, 0)),
            pl.BlockSpec((3, d), lambda i: (0, 0)),
        ],
        out_specs=[pl.BlockSpec((BLK, d), lambda i: (i, 0))] * 3,
        out_shape=[jax.ShapeDtypeStruct((npad, d), jnp.float32)] * 3,
    )(h_n, w1, w2, w3, b_all)
    return outs


def _sc_aggregate(wh, wth, wsh, edges, npad, ep):
    d = wh.shape[1]
    epw = ep // NW
    nch = epw // CH
    rps = npad // NS

    mesh = plsc.VectorSubcoreMesh(core_axis_name="c", subcore_axis_name="s",
                                  num_cores=NC, num_subcores=NS)

    @functools.partial(
        pl.kernel,
        out_type=jax.ShapeDtypeStruct((NC * npad, d), jnp.float32),
        mesh=mesh,
        scratch_types=(
            [pltpu.VMEM((2, CH), jnp.int32)] * NSLOT
            + [pltpu.VMEM((CH, d), jnp.float32)] * (2 * NSLOT)
            + [pltpu.VMEM_SHARED((npad, d), jnp.float32)]
            + [pltpu.SemaphoreType.DMA] * (3 * NSLOT)
        ),
    )
    def agg(wh_hbm, wth_hbm, wsh_hbm, edges_hbm, out_hbm, *scratch):
        eidx = scratch[:NSLOT]
        bufa = scratch[NSLOT:2 * NSLOT]
        bufb = scratch[2 * NSLOT:3 * NSLOT]
        acc = scratch[3 * NSLOT]
        sema = scratch[3 * NSLOT + 1:3 * NSLOT + 1 + NSLOT]
        semb = scratch[3 * NSLOT + 1 + NSLOT:3 * NSLOT + 1 + 2 * NSLOT]
        semc = scratch[3 * NSLOT + 1 + 2 * NSLOT:]
        cid = lax.axis_index("c")
        sid = lax.axis_index("s")
        wid = sid * NC + cid

        row = pl.ds(sid * rps, rps)
        pltpu.sync_copy(wsh_hbm.at[row], acc.at[row])
        plsc.subcore_barrier()

        chunk0 = wid * (epw // CH)

        def fire(b, i):
            pltpu.sync_copy(edges_hbm.at[chunk0 + i], eidx[b])
            pltpu.async_copy(wh_hbm.at[eidx[b].at[0]], bufa[b], sema[b])
            pltpu.async_copy(wth_hbm.at[eidx[b].at[1]], bufb[b], semb[b])

        def drain(b):
            pltpu.make_async_copy(wh_hbm.at[eidx[b].at[0]], bufa[b], sema[b]).wait()
            pltpu.make_async_copy(wth_hbm.at[eidx[b].at[1]], bufb[b], semb[b]).wait()
            ca = pltpu.async_copy(bufa[b], acc.at[eidx[b].at[1]], semc[b], add=True)
            cb = pltpu.async_copy(bufb[b], acc.at[eidx[b].at[0]], sema[b], add=True)
            ca.wait()
            cb.wait()

        for b in range(NSLOT):
            fire(b, b)

        def body(g, carry):
            for b in range(NSLOT):
                drain(b)
                fire(b, NSLOT * g + b + NSLOT)
            return carry

        lax.fori_loop(0, (nch - NSLOT) // NSLOT, body, 0)
        for b in range(NSLOT):
            drain(b)
        plsc.subcore_barrier()

        pltpu.sync_copy(acc.at[row],
                        out_hbm.at[pl.ds(cid * npad + sid * rps, rps)])

    return agg(wh, wth, wsh, edges)


def _add_gelu(partials, wsh, n):
    npad, d = wsh.shape
    nb = npad // BLK

    def body(a_ref, b_ref, c_ref, o_ref):
        y = a_ref[...] + b_ref[...] - c_ref[...]
        o_ref[...] = 0.5 * y * (1.0 + lax.erf(y * 0.7071067811865476))

    return pl.pallas_call(
        body,
        grid=(n // BLK,),
        in_specs=[
            pl.BlockSpec((BLK, d), lambda i: (i, 0)),
            pl.BlockSpec((BLK, d), lambda i: (i + nb, 0)),
            pl.BlockSpec((BLK, d), lambda i: (i, 0)),
        ],
        out_specs=pl.BlockSpec((BLK, d), lambda i: (i, 0)),
        out_shape=jax.ShapeDtypeStruct((n, d), jnp.float32),
    )(partials, partials, wsh)


def kernel(h_n, edge_index, W_w, W_b, Wt_w, Wt_b, Ws_w, Ws_b):
    n, d = h_n.shape
    e = edge_index.shape[1]

    npad = -(-(n + 1) // (BLK * 8)) * (BLK * 8)
    ep = -(-e // (NW * CH * NSLOT)) * (NW * CH * NSLOT)

    e2 = jnp.pad(edge_index.astype(jnp.int32), ((0, 0), (0, ep - e)),
                 constant_values=n)
    edges = e2.reshape(2, ep // CH, CH).transpose(1, 0, 2)

    b_all = jnp.stack([W_b, Wt_b, Ws_b])
    wh, wth, wsh = _linear3(h_n, W_w, Wt_w, Ws_w, b_all, npad)

    partials = _sc_aggregate(wh, wth, wsh, edges, npad, ep)
    return _add_gelu(partials, wsh, n)

# --- scband reference (transcript-rebuilt; emitter-appended) ---
"""Pipeline reference for scband-bi-mpnnlayer-2662879724349 (READ-ONLY COPY).

The authoritative reference and input builder live on the scoring server;
editing this copy changes nothing except your own understanding.
"""

import jax, jax.numpy as jnp
import numpy as np

N_NODES = 10000
N_EDGES = 320000
D_IN = 128
D_OUT = 128

def setup_inputs(seed: int = 0) -> dict:
    key = jax.random.key(seed)
    k1, k2, k3, k4, k5, k6, k7, k8 = jax.random.split(key, 8)
    h_n = jax.random.normal(k1, (N_NODES, D_IN), dtype=jnp.float32)
    edge_index = jax.random.randint(k2, (2, N_EDGES), 0, N_NODES, dtype=jnp.int64)
    s = 1.0 / np.sqrt(D_IN)
    W_w = jax.random.uniform(k3, (D_OUT, D_IN), dtype=jnp.float32, minval=-s, maxval=s)
    W_b = jax.random.uniform(k4, (D_OUT,), dtype=jnp.float32, minval=-s, maxval=s)
    Wt_w = jax.random.uniform(k5, (D_OUT, D_IN), dtype=jnp.float32, minval=-s, maxval=s)
    Wt_b = jax.random.uniform(k6, (D_OUT,), dtype=jnp.float32, minval=-s, maxval=s)
    Ws_w = jax.random.uniform(k7, (D_OUT, D_IN), dtype=jnp.float32, minval=-s, maxval=s)
    Ws_b = jax.random.uniform(k8, (D_OUT,), dtype=jnp.float32, minval=-s, maxval=s)
    return {"h_n": h_n, "edge_index": edge_index, "W_w": W_w, "W_b": W_b, "Wt_w": Wt_w, "Wt_b": Wt_b, "Ws_w": Ws_w, "Ws_b": Ws_b}

def reference(h_n, edge_index, W_w, W_b, Wt_w, Wt_b, Ws_w, Ws_b):
    # A is the sparse adjacency: A[dst, src] = 1 for each edge (src -> dst).
    # A @ X  ==> for each dst node, sum X over its incoming src neighbors.
    # A_T @ X ==> for each src node, sum X over its outgoing dst neighbors.
    src = edge_index[0]
    dst = edge_index[1]
    Wh = h_n @ W_w.T + W_b            # self.W(h_n)
    Wth = h_n @ Wt_w.T + Wt_b          # self.W_trans(h_n)
    Wsh = h_n @ Ws_w.T + Ws_b          # self.W_self(h_n)
    agg = jax.ops.segment_sum(Wh[src], dst, num_segments=N_NODES)      # A @ W(h_n)
    agg_T = jax.ops.segment_sum(Wth[dst], src, num_segments=N_NODES)   # A_T @ W_trans(h_n)
    h_n_out = agg + agg_T + Wsh
    return jax.nn.gelu(h_n_out, approximate=False)

if __name__ == "__main__":
    import jax
    _d = setup_inputs()
    print(jax.jit(kernel)(*tuple(_d.values())))

</pallas_src>

<mosaic_0001>
#map = affine_map<(d0, d1) -> (0, 0)>
#map1 = affine_map<(d0, d1) -> (0, 0, 0)>
module attributes {stable_mosaic.version = 14 : i64} {
  func.func @agg(%arg0: i32, %arg1: i32, %arg2: memref<10240x128xf32, #tpu.memory_space<hbm>>, %arg3: memref<10240x128xf32, #tpu.memory_space<hbm>>, %arg4: memref<10240x128xf32, #tpu.memory_space<hbm>>, %arg5: memref<3648x2x88xi32, #tpu.memory_space<hbm>>, %arg6: memref<20480x128xf32, #tpu.memory_space<hbm>>, %arg7: memref<2x88xi32, #tpu.memory_space<vmem>>, %arg8: memref<2x88xi32, #tpu.memory_space<vmem>>, %arg9: memref<88x128xf32, #tpu.memory_space<vmem>>, %arg10: memref<88x128xf32, #tpu.memory_space<vmem>>, %arg11: memref<88x128xf32, #tpu.memory_space<vmem>>, %arg12: memref<88x128xf32, #tpu.memory_space<vmem>>, %arg13: memref<10240x128xf32, #tpu.memory_space<vmem_shared>>, %arg14: memref<!tpu.dma_semaphore, #tpu.memory_space<semaphore_mem>>, %arg15: memref<!tpu.dma_semaphore, #tpu.memory_space<semaphore_mem>>, %arg16: memref<!tpu.dma_semaphore, #tpu.memory_space<semaphore_mem>>, %arg17: memref<!tpu.dma_semaphore, #tpu.memory_space<semaphore_mem>>, %arg18: memref<!tpu.dma_semaphore, #tpu.memory_space<semaphore_mem>>, %arg19: memref<!tpu.dma_semaphore, #tpu.memory_space<semaphore_mem>>) attributes {dimension_semantics = [#tpu.dimension_semantics<core_parallel>, #tpu.dimension_semantics<subcore_parallel>], iteration_bounds = array<i64: 2, 16>, scalar_prefetch = 0 : i64, scratch_operands = 13 : i64, tpu.core_type = #tpu.core_type<sc_vector_subcore>, window_params = [{transform_indices = #map}, {transform_indices = #map}, {transform_indices = #map}, {transform_indices = #map1}, {transform_indices = #map}]} {
    %mul3A = arith.constant 2 : i32
    %mul3A_0 = arith.muli %arg1, %mul3A : i32
    %add3A = arith.addi %mul3A_0, %arg0 : i32
    %mul3A_1 = arith.constant 640 : i32
    %mul3A_2 = arith.muli %arg1, %mul3A_1 : i32
    "tpu.region"() ({
      %run_scoped3A = tpu.sem_alloc : memref<!tpu.dma_semaphore, #tpu.memory_space<semaphore_mem>>
      %dma_start3A_130 = arith.constant 0 : i32
      %dma_start3A_131 = tpu.memref_slice %arg13[%mul3A_2, %dma_start3A_130] : memref<10240x128xf32, #tpu.memory_space<vmem_shared>> -> memref<640x128xf32, #tpu.memory_space<vmem_shared>>
      %dma_start3A_132 = arith.constant 0 : i32
      %dma_start3A_133 = tpu.memref_slice %arg4[%mul3A_2, %dma_start3A_132] : memref<10240x128xf32, #tpu.memory_space<hbm>> -> memref<640x128xf32, #tpu.memory_space<hbm>>
      tpu.enqueue_dma source(%dma_start3A_133 : memref<640x128xf32, #tpu.memory_space<hbm>>) target(%dma_start3A_131 : memref<640x128xf32, #tpu.memory_space<vmem_shared>>) target_semaphore(%run_scoped3A : memref<!tpu.dma_semaphore, #tpu.memory_space<semaphore_mem>>)
      %dma_wait3A_134 = arith.constant 0 : i32
      %dma_wait3A_135 = tpu.memref_slice %arg13[%mul3A_2, %dma_wait3A_134] : memref<10240x128xf32, #tpu.memory_space<vmem_shared>> -> memref<640x128xf32, #tpu.memory_space<vmem_shared>>
      %dma_wait3A_136 = arith.constant 0 : i32
      %dma_wait3A_137 = tpu.memref_slice %arg4[%mul3A_2, %dma_wait3A_136] : memref<10240x128xf32, #tpu.memory_space<hbm>> -> memref<640x128xf32, #tpu.memory_space<hbm>>
      tpu.wait_dma2 semaphore(%run_scoped3A : memref<!tpu.dma_semaphore, #tpu.memory_space<semaphore_mem>>) src(%dma_wait3A_137 : memref<640x128xf32, #tpu.memory_space<hbm>>) dst(%dma_wait3A_135 : memref<640x128xf32, #tpu.memory_space<vmem_shared>>)
      tpu.yield
    }) : () -> ()
    %barrier3A = arith.constant 0 : index
    tpu.barrier barrier_id(%barrier3A)
    %mul3A_3 = arith.constant 114 : i32
    %mul3A_4 = arith.muli %add3A, %mul3A_3 : i32
    %add3A_5 = arith.constant 0 : i32
    %add3A_6 = arith.addi %mul3A_4, %add3A_5 : i32
    "tpu.region"() ({
      %run_scoped3A = tpu.sem_alloc : memref<!tpu.dma_semaphore, #tpu.memory_space<semaphore_mem>>
      %dma_start3A_130 = arith.constant 0 : i32
      %dma_start3A_131 = arith.constant 0 : i32
      %dma_start3A_132 = tpu.memref_slice %arg5[%add3A_6, %dma_start3A_130, %dma_start3A_131] : memref<3648x2x88xi32, #tpu.memory_space<hbm>> -> memref<1x2x88xi32, #tpu.memory_space<hbm>>
      %dma_start3A_133 = tpu.memref_squeeze %dma_start3A_132 : memref<1x2x88xi32, #tpu.memory_space<hbm>> -> memref<2x88xi32, #tpu.memory_space<hbm>>
      %dma_start3A_134 = arith.constant 0 : i32
      %dma_start3A_135 = arith.constant 0 : i32
      %dma_start3A_136 = tpu.memref_slice %arg5[%add3A_6, %dma_start3A_134, %dma_start3A_135] : memref<3648x2x88xi32, #tpu.memory_space<hbm>> -> memref<1x2x88xi32, #tpu.memory_space<hbm>>
      %dma_start3A_137 = tpu.memref_squeeze %dma_start3A_136 : memref<1x2x88xi32, #tpu.memory_space<hbm>> -> memref<2x88xi32, #tpu.memory_space<hbm>>
      tpu.enqueue_dma source(%dma_start3A_137 : memref<2x88xi32, #tpu.memory_space<hbm>>) target(%arg7 : memref<2x88xi32, #tpu.memory_space<vmem>>) target_semaphore(%run_scoped3A : memref<!tpu.dma_semaphore, #tpu.memory_space<semaphore_mem>>)
      %dma_wait3A_138 = arith.constant 0 : i32
      %dma_wait3A_139 = arith.constant 0 : i32
      %dma_wait3A_140 = tpu.memref_slice %arg5[%add3A_6, %dma_wait3A_138, %dma_wait3A_139] : memref<3648x2x88xi32, #tpu.memory_space<hbm>> -> memref<1x2x88xi32, #tpu.memory_space<hbm>>
      %dma_wait3A_141 = tpu.memref_squeeze %dma_wait3A_140 : memref<1x2x88xi32, #tpu.memory_space<hbm>> -> memref<2x88xi32, #tpu.memory_space<hbm>>
      %dma_wait3A_142 = arith.constant 0 : i32
      %dma_wait3A_143 = arith.constant 0 : i32
      %dma_wait3A_144 = tpu.memref_slice %arg5[%add3A_6, %dma_wait3A_142, %dma_wait3A_143] : memref<3648x2x88xi32, #tpu.memory_space<hbm>> -> memref<1x2x88xi32, #tpu.memory_space<hbm>>
      %dma_wait3A_145 = tpu.memref_squeeze %dma_wait3A_144 : memref<1x2x88xi32, #tpu.memory_space<hbm>> -> memref<2x88xi32, #tpu.memory_space<hbm>>
      tpu.wait_dma2 semaphore(%run_scoped3A : memref<!tpu.dma_semaphore, #tpu.memory_space<semaphore_mem>>) src(%dma_wait3A_145 : memref<2x88xi32, #tpu.memory_space<hbm>>) dst(%arg7 : memref<2x88xi32, #tpu.memory_space<vmem>>)
      tpu.yield
    }) : () -> ()
    %dma_start3A = arith.constant 0 : i32
    %dma_start3A_7 = arith.constant 0 : i32
    %dma_start3A_8 = tpu.memref_slice %arg7[%dma_start3A, %dma_start3A_7] : memref<2x88xi32, #tpu.memory_space<vmem>> -> memref<1x88xi32, #tpu.memory_space<vmem>>
    %dma_start3A_9 = tpu.memref_squeeze %dma_start3A_8 : memref<1x88xi32, #tpu.memory_space<vmem>> -> memref<88xi32, #tpu.memory_space<vmem>>
    %dma_start3A_10 = arith.constant 0 : i32
    %dma_start3A_11 = arith.constant 0 : i32
    %dma_start3A_12 = tpu.memref_slice %arg2[%dma_start3A_10, %dma_start3A_11] : memref<10240x128xf32, #tpu.memory_space<hbm>> -> memref<10240x128xf32, #tpu.memory_space<hbm>>
    tpu.enqueue_indirect_dma source(%dma_start3A_12 : memref<10240x128xf32, #tpu.memory_space<hbm>>) target(%arg9 : memref<88x128xf32, #tpu.memory_space<vmem>>) offsets(%dma_start3A_9 : memref<88xi32, #tpu.memory_space<vmem>>) semaphore(%arg14 : memref<!tpu.dma_semaphore, #tpu.memory_space<semaphore_mem>>)
    %dma_start3A_13 = arith.constant 1 : i32
    %dma_start3A_14 = arith.constant 0 : i32
    %dma_start3A_15 = tpu.memref_slice %arg7[%dma_start3A_13, %dma_start3A_14] : memref<2x88xi32, #tpu.memory_space<vmem>> -> memref<1x88xi32, #tpu.memory_space<vmem>>
    %dma_start3A_16 = tpu.memref_squeeze %dma_start3A_15 : memref<1x88xi32, #tpu.memory_space<vmem>> -> memref<88xi32, #tpu.memory_space<vmem>>
    %dma_start3A_17 = arith.constant 0 : i32
    %dma_start3A_18 = arith.constant 0 : i32
    %dma_start3A_19 = tpu.memref_slice %arg3[%dma_start3A_17, %dma_start3A_18] : memref<10240x128xf32, #tpu.memory_space<hbm>> -> memref<10240x128xf32, #tpu.memory_space<hbm>>
    tpu.enqueue_indirect_dma source(%dma_start3A_19 : memref<10240x128xf32, #tpu.memory_space<hbm>>) target(%arg11 : memref<88x128xf32, #tpu.memory_space<vmem>>) offsets(%dma_start3A_16 : memref<88xi32, #tpu.memory_space<vmem>>) semaphore(%arg16 : memref<!tpu.dma_semaphore, #tpu.memory_space<semaphore_mem>>)
    %add3A_20 = arith.constant 1 : i32
    %add3A_21 = arith.addi %mul3A_4, %add3A_20 : i32
    "tpu.region"() ({
      %run_scoped3A = tpu.sem_alloc : memref<!tpu.dma_semaphore, #tpu.memory_space<semaphore_mem>>
      %dma_start3A_130 = arith.constant 0 : i32
      %dma_start3A_131 = arith.constant 0 : i32
      %dma_start3A_132 = tpu.memref_slice %arg5[%add3A_21, %dma_start3A_130, %dma_start3A_131] : memref<3648x2x88xi32, #tpu.memory_space<hbm>> -> memref<1x2x88xi32, #tpu.memory_space<hbm>>
      %dma_start3A_133 = tpu.memref_squeeze %dma_start3A_132 : memref<1x2x88xi32, #tpu.memory_space<hbm>> -> memref<2x88xi32, #tpu.memory_space<hbm>>
      %dma_start3A_134 = arith.constant 0 : i32
      %dma_start3A_135 = arith.constant 0 : i32
      %dma_start3A_136 = tpu.memref_slice %arg5[%add3A_21, %dma_start3A_134, %dma_start3A_135] : memref<3648x2x88xi32, #tpu.memory_space<hbm>> -> memref<1x2x88xi32, #tpu.memory_space<hbm>>
      %dma_start3A_137 = tpu.memref_squeeze %dma_start3A_136 : memref<1x2x88xi32, #tpu.memory_space<hbm>> -> memref<2x88xi32, #tpu.memory_space<hbm>>
      tpu.enqueue_dma source(%dma_start3A_137 : memref<2x88xi32, #tpu.memory_space<hbm>>) target(%arg8 : memref<2x88xi32, #tpu.memory_space<vmem>>) target_semaphore(%run_scoped3A : memref<!tpu.dma_semaphore, #tpu.memory_space<semaphore_mem>>)
      %dma_wait3A_138 = arith.constant 0 : i32
      %dma_wait3A_139 = arith.constant 0 : i32
      %dma_wait3A_140 = tpu.memref_slice %arg5[%add3A_21, %dma_wait3A_138, %dma_wait3A_139] : memref<3648x2x88xi32, #tpu.memory_space<hbm>> -> memref<1x2x88xi32, #tpu.memory_space<hbm>>
      %dma_wait3A_141 = tpu.memref_squeeze %dma_wait3A_140 : memref<1x2x88xi32, #tpu.memory_space<hbm>> -> memref<2x88xi32, #tpu.memory_space<hbm>>
      %dma_wait3A_142 = arith.constant 0 : i32
      %dma_wait3A_143 = arith.constant 0 : i32
      %dma_wait3A_144 = tpu.memref_slice %arg5[%add3A_21, %dma_wait3A_142, %dma_wait3A_143] : memref<3648x2x88xi32, #tpu.memory_space<hbm>> -> memref<1x2x88xi32, #tpu.memory_space<hbm>>
      %dma_wait3A_145 = tpu.memref_squeeze %dma_wait3A_144 : memref<1x2x88xi32, #tpu.memory_space<hbm>> -> memref<2x88xi32, #tpu.memory_space<hbm>>
      tpu.wait_dma2 semaphore(%run_scoped3A : memref<!tpu.dma_semaphore, #tpu.memory_space<semaphore_mem>>) src(%dma_wait3A_145 : memref<2x88xi32, #tpu.memory_space<hbm>>) dst(%arg8 : memref<2x88xi32, #tpu.memory_space<vmem>>)
      tpu.yield
    }) : () -> ()
    %dma_start3A_22 = arith.constant 0 : i32
    %dma_start3A_23 = arith.constant 0 : i32
    %dma_start3A_24 = tpu.memref_slice %arg8[%dma_start3A_22, %dma_start3A_23] : memref<2x88xi32, #tpu.memory_space<vmem>> -> memref<1x88xi32, #tpu.memory_space<vmem>>
    %dma_start3A_25 = tpu.memref_squeeze %dma_start3A_24 : memref<1x88xi32, #tpu.memory_space<vmem>> -> memref<88xi32, #tpu.memory_space<vmem>>
    %dma_start3A_26 = arith.constant 0 : i32
    %dma_start3A_27 = arith.constant 0 : i32
    %dma_start3A_28 = tpu.memref_slice %arg2[%dma_start3A_26, %dma_start3A_27] : memref<10240x128xf32, #tpu.memory_space<hbm>> -> memref<10240x128xf32, #tpu.memory_space<hbm>>
    tpu.enqueue_indirect_dma source(%dma_start3A_28 : memref<10240x128xf32, #tpu.memory_space<hbm>>) target(%arg10 : memref<88x128xf32, #tpu.memory_space<vmem>>) offsets(%dma_start3A_25 : memref<88xi32, #tpu.memory_space<vmem>>) semaphore(%arg15 : memref<!tpu.dma_semaphore, #tpu.memory_space<semaphore_mem>>)
    %dma_start3A_29 = arith.constant 1 : i32
    %dma_start3A_30 = arith.constant 0 : i32
    %dma_start3A_31 = tpu.memref_slice %arg8[%dma_start3A_29, %dma_start3A_30] : memref<2x88xi32, #tpu.memory_space<vmem>> -> memref<1x88xi32, #tpu.memory_space<vmem>>
    %dma_start3A_32 = tpu.memref_squeeze %dma_start3A_31 : memref<1x88xi32, #tpu.memory_space<vmem>> -> memref<88xi32, #tpu.memory_space<vmem>>
    %dma_start3A_33 = arith.constant 0 : i32
    %dma_start3A_34 = arith.constant 0 : i32
    %dma_start3A_35 = tpu.memref_slice %arg3[%dma_start3A_33, %dma_start3A_34] : memref<10240x128xf32, #tpu.memory_space<hbm>> -> memref<10240x128xf32, #tpu.memory_space<hbm>>
    tpu.enqueue_indirect_dma source(%dma_start3A_35 : memref<10240x128xf32, #tpu.memory_space<hbm>>) target(%arg12 : memref<88x128xf32, #tpu.memory_space<vmem>>) offsets(%dma_start3A_32 : memref<88xi32, #tpu.memory_space<vmem>>) semaphore(%arg17 : memref<!tpu.dma_semaphore, #tpu.memory_space<semaphore_mem>>)
    %scan3A = arith.constant 0 : i32
    %scan3A_36 = arith.constant 0 : i32
    %scan3A_37 = arith.constant 56 : i32
    %scan3A_38 = arith.addi %scan3A_36, %scan3A_37 : i32
    %scan3A_39 = arith.constant 1 : i32
    scf.for %scan3A_130 = %scan3A_36 to %scan3A_38 step %scan3A_39  : i32 {
      %dma_wait3A_131 = arith.constant 0 : i32
      %dma_wait3A_132 = arith.constant 0 : i32
      %dma_wait3A_133 = tpu.memref_slice %arg7[%dma_wait3A_131, %dma_wait3A_132] : memref<2x88xi32, #tpu.memory_space<vmem>> -> memref<1x88xi32, #tpu.memory_space<vmem>>
      %dma_wait3A_134 = tpu.memref_squeeze %dma_wait3A_133 : memref<1x88xi32, #tpu.memory_space<vmem>> -> memref<88xi32, #tpu.memory_space<vmem>>
      %dma_wait3A_135 = arith.constant 0 : i32
      %dma_wait3A_136 = arith.constant 0 : i32
      %dma_wait3A_137 = tpu.memref_slice %arg2[%dma_wait3A_135, %dma_wait3A_136] : memref<10240x128xf32, #tpu.memory_space<hbm>> -> memref<10240x128xf32, #tpu.memory_space<hbm>>
      tpu.wait_indirect_dma semaphore(%arg14 : memref<!tpu.dma_semaphore, #tpu.memory_space<semaphore_mem>>) src(%dma_wait3A_137 : memref<10240x128xf32, #tpu.memory_space<hbm>>) dst(%arg9 : memref<88x128xf32, #tpu.memory_space<vmem>>)
      %dma_wait3A_138 = arith.constant 1 : i32
      %dma_wait3A_139 = arith.constant 0 : i32
      %dma_wait3A_140 = tpu.memref_slice %arg7[%dma_wait3A_138, %dma_wait3A_139] : memref<2x88xi32, #tpu.memory_space<vmem>> -> memref<1x88xi32, #tpu.memory_space<vmem>>
      %dma_wait3A_141 = tpu.memref_squeeze %dma_wait3A_140 : memref<1x88xi32, #tpu.memory_space<vmem>> -> memref<88xi32, #tpu.memory_space<vmem>>
      %dma_wait3A_142 = arith.constant 0 : i32
      %dma_wait3A_143 = arith.constant 0 : i32
      %dma_wait3A_144 = tpu.memref_slice %arg3[%dma_wait3A_142, %dma_wait3A_143] : memref<10240x128xf32, #tpu.memory_space<hbm>> -> memref<10240x128xf32, #tpu.memory_space<hbm>>
      tpu.wait_indirect_dma semaphore(%arg16 : memref<!tpu.dma_semaphore, #tpu.memory_space<semaphore_mem>>) src(%dma_wait3A_144 : memref<10240x128xf32, #tpu.memory_space<hbm>>) dst(%arg11 : memref<88x128xf32, #tpu.memory_space<vmem>>)
      %dma_start3A_145 = arith.constant 1 : i32
      %dma_start3A_146 = arith.constant 0 : i32
      %dma_start3A_147 = tpu.memref_slice %arg7[%dma_start3A_145, %dma_start3A_146] : memref<2x88xi32, #tpu.memory_space<vmem>> -> memref<1x88xi32, #tpu.memory_space<vmem>>
      %dma_start3A_148 = tpu.memref_squeeze %dma_start3A_147 : memref<1x88xi32, #tpu.memory_space<vmem>> -> memref<88xi32, #tpu.memory_space<vmem>>
      %dma_start3A_149 = arith.constant 0 : i32
      %dma_start3A_150 = arith.constant 0 : i32
      %dma_start3A_151 = tpu.memref_slice %arg13[%dma_start3A_149, %dma_start3A_150] : memref<10240x128xf32, #tpu.memory_space<vmem_shared>> -> memref<10240x128xf32, #tpu.memory_space<vmem_shared>>
      tpu.enqueue_indirect_dma source(%arg9 : memref<88x128xf32, #tpu.memory_space<vmem>>) target(%dma_start3A_151 : memref<10240x128xf32, #tpu.memory_space<vmem_shared>>) offsets(%dma_start3A_148 : memref<88xi32, #tpu.memory_space<vmem>>) semaphore(%arg18 : memref<!tpu.dma_semaphore, #tpu.memory_space<semaphore_mem>>) {add = true}
      %dma_start3A_152 = arith.constant 0 : i32
      %dma_start3A_153 = arith.constant 0 : i32
      %dma_start3A_154 = tpu.memref_slice %arg7[%dma_start3A_152, %dma_start3A_153] : memref<2x88xi32, #tpu.memory_space<vmem>> -> memref<1x88xi32, #tpu.memory_space<vmem>>
      %dma_start3A_155 = tpu.memref_squeeze %dma_start3A_154 : memref<1x88xi32, #tpu.memory_space<vmem>> -> memref<88xi32, #tpu.memory_space<vmem>>
      %dma_start3A_156 = arith.constant 0 : i32
      %dma_start3A_157 = arith.constant 0 : i32
      %dma_start3A_158 = tpu.memref_slice %arg13[%dma_start3A_156, %dma_start3A_157] : memref<10240x128xf32, #tpu.memory_space<vmem_shared>> -> memref<10240x128xf32, #tpu.memory_space<vmem_shared>>
      tpu.enqueue_indirect_dma source(%arg11 : memref<88x128xf32, #tpu.memory_space<vmem>>) target(%dma_start3A_158 : memref<10240x128xf32, #tpu.memory_space<vmem_shared>>) offsets(%dma_start3A_155 : memref<88xi32, #tpu.memory_space<vmem>>) semaphore(%arg14 : memref<!tpu.dma_semaphore, #tpu.memory_space<semaphore_mem>>) {add = true}
      %dma_wait3A_159 = arith.constant 1 : i32
      %dma_wait3A_160 = arith.constant 0 : i32
      %dma_wait3A_161 = tpu.memref_slice %arg7[%dma_wait3A_159, %dma_wait3A_160] : memref<2x88xi32, #tpu.memory_space<vmem>> -> memref<1x88xi32, #tpu.memory_space<vmem>>
      %dma_wait3A_162 = tpu.memref_squeeze %dma_wait3A_161 : memref<1x88xi32, #tpu.memory_space<vmem>> -> memref<88xi32, #tpu.memory_space<vmem>>
      %dma_wait3A_163 = arith.constant 0 : i32
      %dma_wait3A_164 = arith.constant 0 : i32
      %dma_wait3A_165 = tpu.memref_slice %arg13[%dma_wait3A_163, %dma_wait3A_164] : memref<10240x128xf32, #tpu.memory_space<vmem_shared>> -> memref<10240x128xf32, #tpu.memory_space<vmem_shared>>
      tpu.wait_indirect_dma semaphore(%arg18 : memref<!tpu.dma_semaphore, #tpu.memory_space<semaphore_mem>>) src(%arg9 : memref<88x128xf32, #tpu.memory_space<vmem>>) dst(%dma_wait3A_165 : memref<10240x128xf32, #tpu.memory_space<vmem_shared>>)
      %dma_wait3A_166 = arith.constant 0 : i32
      %dma_wait3A_167 = arith.constant 0 : i32
      %dma_wait3A_168 = tpu.memref_slice %arg7[%dma_wait3A_166, %dma_wait3A_167] : memref<2x88xi32, #tpu.memory_space<vmem>> -> memref<1x88xi32, #tpu.memory_space<vmem>>
      %dma_wait3A_169 = tpu.memref_squeeze %dma_wait3A_168 : memref<1x88xi32, #tpu.memory_space<vmem>> -> memref<88xi32, #tpu.memory_space<vmem>>
      %dma_wait3A_170 = arith.constant 0 : i32
      %dma_wait3A_171 = arith.constant 0 : i32
      %dma_wait3A_172 = tpu.memref_slice %arg13[%dma_wait3A_170, %dma_wait3A_171] : memref<10240x128xf32, #tpu.memory_space<vmem_shared>> -> memref<10240x128xf32, #tpu.memory_space<vmem_shared>>
      tpu.wait_indirect_dma semaphore(%arg14 : memref<!tpu.dma_semaphore, #tpu.memory_space<semaphore_mem>>) src(%arg11 : memref<88x128xf32, #tpu.memory_space<vmem>>) dst(%dma_wait3A_172 : memref<10240x128xf32, #tpu.memory_space<vmem_shared>>)
      %mul3A_173 = arith.constant 2 : i32
      %mul3A_174 = arith.muli %mul3A_173, %scan3A_130 : i32
      %add3A_175 = arith.constant 0 : i32
      %add3A_176 = arith.addi %mul3A_174, %add3A_175 : i32
      %add3A_177 = arith.constant 2 : i32
      %add3A_178 = arith.addi %add3A_176, %add3A_177 : i32
      %add3A_179 = arith.addi %mul3A_4, %add3A_178 : i32
      "tpu.region"() ({
        %run_scoped3A = tpu.sem_alloc : memref<!tpu.dma_semaphore, #tpu.memory_space<semaphore_mem>>
        %dma_start3A_257 = arith.constant 0 : i32
        %dma_start3A_258 = arith.constant 0 : i32
        %dma_start3A_259 = tpu.memref_slice %arg5[%add3A_179, %dma_start3A_257, %dma_start3A_258] : memref<3648x2x88xi32, #tpu.memory_space<hbm>> -> memref<1x2x88xi32, #tpu.memory_space<hbm>>
        %dma_start3A_260 = tpu.memref_squeeze %dma_start3A_259 : memref<1x2x88xi32, #tpu.memory_space<hbm>> -> memref<2x88xi32, #tpu.memory_space<hbm>>
        %dma_start3A_261 = arith.constant 0 : i32
        %dma_start3A_262 = arith.constant 0 : i32
        %dma_start3A_263 = tpu.memref_slice %arg5[%add3A_179, %dma_start3A_261, %dma_start3A_262] : memref<3648x2x88xi32, #tpu.memory_space<hbm>> -> memref<1x2x88xi32, #tpu.memory_space<hbm>>
        %dma_start3A_264 = tpu.memref_squeeze %dma_start3A_263 : memref<1x2x88xi32, #tpu.memory_space<hbm>> -> memref<2x88xi32, #tpu.memory_space<hbm>>
        tpu.enqueue_dma source(%dma_start3A_264 : memref<2x88xi32, #tpu.memory_space<hbm>>) target(%arg7 : memref<2x88xi32, #tpu.memory_space<vmem>>) target_semaphore(%run_scoped3A : memref<!tpu.dma_semaphore, #tpu.memory_space<semaphore_mem>>)
        %dma_wait3A_265 = arith.constant 0 : i32
        %dma_wait3A_266 = arith.constant 0 : i32
        %dma_wait3A_267 = tpu.memref_slice %arg5[%add3A_179, %dma_wait3A_265, %dma_wait3A_266] : memref<3648x2x88xi32, #tpu.memory_space<hbm>> -> memref<1x2x88xi32, #tpu.memory_space<hbm>>
        %dma_wait3A_268 = tpu.memref_squeeze %dma_wait3A_267 : memref<1x2x88xi32, #tpu.memory_space<hbm>> -> memref<2x88xi32, #tpu.memory_space<hbm>>
        %dma_wait3A_269 = arith.constant 0 : i32
        %dma_wait3A_270 = arith.constant 0 : i32
        %dma_wait3A_271 = tpu.memref_slice %arg5[%add3A_179, %dma_wait3A_269, %dma_wait3A_270] : memref<3648x2x88xi32, #tpu.memory_space<hbm>> -> memref<1x2x88xi32, #tpu.memory_space<hbm>>
        %dma_wait3A_272 = tpu.memref_squeeze %dma_wait3A_271 : memref<1x2x88xi32, #tpu.memory_space<hbm>> -> memref<2x88xi32, #tpu.memory_space<hbm>>
        tpu.wait_dma2 semaphore(%run_scoped3A : memref<!tpu.dma_semaphore, #tpu.memory_space<semaphore_mem>>) src(%dma_wait3A_272 : memref<2x88xi32, #tpu.memory_space<hbm>>) dst(%arg7 : memref<2x88xi32, #tpu.memory_space<vmem>>)
        tpu.yield
      }) : () -> ()
      %dma_start3A_180 = arith.constant 0 : i32
      %dma_start3A_181 = arith.constant 0 : i32
      %dma_start3A_182 = tpu.memref_slice %arg7[%dma_start3A_180, %dma_start3A_181] : memref<2x88xi32, #tpu.memory_space<vmem>> -> memref<1x88xi32, #tpu.memory_space<vmem>>
      %dma_start3A_183 = tpu.memref_squeeze %dma_start3A_182 : memref<1x88xi32, #tpu.memory_space<vmem>> -> memref<88xi32, #tpu.memory_space<vmem>>
      %dma_start3A_184 = arith.constant 0 : i32
      %dma_start3A_185 = arith.constant 0 : i32
      %dma_start3A_186 = tpu.memref_slice %arg2[%dma_start3A_184, %dma_start3A_185] : memref<10240x128xf32, #tpu.memory_space<hbm>> -> memref<10240x128xf32, #tpu.memory_space<hbm>>
      tpu.enqueue_indirect_dma source(%dma_start3A_186 : memref<10240x128xf32, #tpu.memory_space<hbm>>) target(%arg9 : memref<88x128xf32, #tpu.memory_space<vmem>>) offsets(%dma_start3A_183 : memref<88xi32, #tpu.memory_space<vmem>>) semaphore(%arg14 : memref<!tpu.dma_semaphore, #tpu.memory_space<semaphore_mem>>)
      %dma_start3A_187 = arith.constant 1 : i32
      %dma_start3A_188 = arith.constant 0 : i32
      %dma_start3A_189 = tpu.memref_slice %arg7[%dma_start3A_187, %dma_start3A_188] : memref<2x88xi32, #tpu.memory_space<vmem>> -> memref<1x88xi32, #tpu.memory_space<vmem>>
      %dma_start3A_190 = tpu.memref_squeeze %dma_start3A_189 : memref<1x88xi32, #tpu.memory_space<vmem>> -> memref<88xi32, #tpu.memory_space<vmem>>
      %dma_start3A_191 = arith.constant 0 : i32
      %dma_start3A_192 = arith.constant 0 : i32
      %dma_start3A_193 = tpu.memref_slice %arg3[%dma_start3A_191, %dma_start3A_192] : memref<10240x128xf32, #tpu.memory_space<hbm>> -> memref<10240x128xf32, #tpu.memory_space<hbm>>
      tpu.enqueue_indirect_dma source(%dma_start3A_193 : memref<10240x128xf32, #tpu.memory_space<hbm>>) target(%arg11 : memref<88x128xf32, #tpu.memory_space<vmem>>) offsets(%dma_start3A_190 : memref<88xi32, #tpu.memory_space<vmem>>) semaphore(%arg16 : memref<!tpu.dma_semaphore, #tpu.memory_space<semaphore_mem>>)
      %dma_wait3A_194 = arith.constant 0 : i32
      %dma_wait3A_195 = arith.constant 0 : i32
      %dma_wait3A_196 = tpu.memref_slice %arg8[%dma_wait3A_194, %dma_wait3A_195] : memref<2x88xi32, #tpu.memory_space<vmem>> -> memref<1x88xi32, #tpu.memory_space<vmem>>
      %dma_wait3A_197 = tpu.memref_squeeze %dma_wait3A_196 : memref<1x88xi32, #tpu.memory_space<vmem>> -> memref<88xi32, #tpu.memory_space<vmem>>
      %dma_wait3A_198 = arith.constant 0 : i32
      %dma_wait3A_199 = arith.constant 0 : i32
      %dma_wait3A_200 = tpu.memref_slice %arg2[%dma_wait3A_198, %dma_wait3A_199] : memref<10240x128xf32, #tpu.memory_space<hbm>> -> memref<10240x128xf32, #tpu.memory_space<hbm>>
      tpu.wait_indirect_dma semaphore(%arg15 : memref<!tpu.dma_semaphore, #tpu.memory_space<semaphore_mem>>) src(%dma_wait3A_200 : memref<10240x128xf32, #tpu.memory_space<hbm>>) dst(%arg10 : memref<88x128xf32, #tpu.memory_space<vmem>>)
      %dma_wait3A_201 = arith.constant 1 : i32
      %dma_wait3A_202 = arith.constant 0 : i32
      %dma_wait3A_203 = tpu.memref_slice %arg8[%dma_wait3A_201, %dma_wait3A_202] : memref<2x88xi32, #tpu.memory_space<vmem>> -> memref<1x88xi32, #tpu.memory_space<vmem>>
      %dma_wait3A_204 = tpu.memref_squeeze %dma_wait3A_203 : memref<1x88xi32, #tpu.memory_space<vmem>> -> memref<88xi32, #tpu.memory_space<vmem>>
      %dma_wait3A_205 = arith.constant 0 : i32
      %dma_wait3A_206 = arith.constant 0 : i32
      %dma_wait3A_207 = tpu.memref_slice %arg3[%dma_wait3A_205, %dma_wait3A_206] : memref<10240x128xf32, #tpu.memory_space<hbm>> -> memref<10240x128xf32, #tpu.memory_space<hbm>>
      tpu.wait_indirect_dma semaphore(%arg17 : memref<!tpu.dma_semaphore, #tpu.memory_space<semaphore_mem>>) src(%dma_wait3A_207 : memref<10240x128xf32, #tpu.memory_space<hbm>>) dst(%arg12 : memref<88x128xf32, #tpu.memory_space<vmem>>)
      %dma_start3A_208 = arith.constant 1 : i32
      %dma_start3A_209 = arith.constant 0 : i32
      %dma_start3A_210 = tpu.memref_slice %arg8[%dma_start3A_208, %dma_start3A_209] : memref<2x88xi32, #tpu.memory_space<vmem>> -> memref<1x88xi32, #tpu.memory_space<vmem>>
      %dma_start3A_211 = tpu.memref_squeeze %dma_start3A_210 : memref<1x88xi32, #tpu.memory_space<vmem>> -> memref<88xi32, #tpu.memory_space<vmem>>
      %dma_start3A_212 = arith.constant 0 : i32
      %dma_start3A_213 = arith.constant 0 : i32
      %dma_start3A_214 = tpu.memref_slice %arg13[%dma_start3A_212, %dma_start3A_213] : memref<10240x128xf32, #tpu.memory_space<vmem_shared>> -> memref<10240x128xf32, #tpu.memory_space<vmem_shared>>
      tpu.enqueue_indirect_dma source(%arg10 : memref<88x128xf32, #tpu.memory_space<vmem>>) target(%dma_start3A_214 : memref<10240x128xf32, #tpu.memory_space<vmem_shared>>) offsets(%dma_start3A_211 : memref<88xi32, #tpu.memory_space<vmem>>) semaphore(%arg19 : memref<!tpu.dma_semaphore, #tpu.memory_space<semaphore_mem>>) {add = true}
      %dma_start3A_215 = arith.constant 0 : i32
      %dma_start3A_216 = arith.constant 0 : i32
      %dma_start3A_217 = tpu.memref_slice %arg8[%dma_start3A_215, %dma_start3A_216] : memref<2x88xi32, #tpu.memory_space<vmem>> -> memref<1x88xi32, #tpu.memory_space<vmem>>
      %dma_start3A_218 = tpu.memref_squeeze %dma_start3A_217 : memref<1x88xi32, #tpu.memory_space<vmem>> -> memref<88xi32, #tpu.memory_space<vmem>>
      %dma_start3A_219 = arith.constant 0 : i32
      %dma_start3A_220 = arith.constant 0 : i32
      %dma_start3A_221 = tpu.memref_slice %arg13[%dma_start3A_219, %dma_start3A_220] : memref<10240x128xf32, #tpu.memory_space<vmem_shared>> -> memref<10240x128xf32, #tpu.memory_space<vmem_shared>>
      tpu.enqueue_indirect_dma source(%arg12 : memref<88x128xf32, #tpu.memory_space<vmem>>) target(%dma_start3A_221 : memref<10240x128xf32, #tpu.memory_space<vmem_shared>>) offsets(%dma_start3A_218 : memref<88xi32, #tpu.memory_space<vmem>>) semaphore(%arg15 : memref<!tpu.dma_semaphore, #tpu.memory_space<semaphore_mem>>) {add = true}
      %dma_wait3A_222 = arith.constant 1 : i32
      %dma_wait3A_223 = arith.constant 0 : i32
      %dma_wait3A_224 = tpu.memref_slice %arg8[%dma_wait3A_222, %dma_wait3A_223] : memref<2x88xi32, #tpu.memory_space<vmem>> -> memref<1x88xi32, #tpu.memory_space<vmem>>
      %dma_wait3A_225 = tpu.memref_squeeze %dma_wait3A_224 : memref<1x88xi32, #tpu.memory_space<vmem>> -> memref<88xi32, #tpu.memory_space<vmem>>
      %dma_wait3A_226 = arith.constant 0 : i32
      %dma_wait3A_227 = arith.constant 0 : i32
      %dma_wait3A_228 = tpu.memref_slice %arg13[%dma_wait3A_226, %dma_wait3A_227] : memref<10240x128xf32, #tpu.memory_space<vmem_shared>> -> memref<10240x128xf32, #tpu.memory_space<vmem_shared>>
      tpu.wait_indirect_dma semaphore(%arg19 : memref<!tpu.dma_semaphore, #tpu.memory_space<semaphore_mem>>) src(%arg10 : memref<88x128xf32, #tpu.memory_space<vmem>>) dst(%dma_wait3A_228 : memref<10240x128xf32, #tpu.memory_space<vmem_shared>>)
      %dma_wait3A_229 = arith.constant 0 : i32
      %dma_wait3A_230 = arith.constant 0 : i32
      %dma_wait3A_231 = tpu.memref_slice %arg8[%dma_wait3A_229, %dma_wait3A_230] : memref<2x88xi32, #tpu.memory_space<vmem>> -> memref<1x88xi32, #tpu.memory_space<vmem>>
      %dma_wait3A_232 = tpu.memref_squeeze %dma_wait3A_231 : memref<1x88xi32, #tpu.memory_space<vmem>> -> memref<88xi32, #tpu.memory_space<vmem>>
      %dma_wait3A_233 = arith.constant 0 : i32
      %dma_wait3A_234 = arith.constant 0 : i32
      %dma_wait3A_235 = tpu.memref_slice %arg13[%dma_wait3A_233, %dma_wait3A_234] : memref<10240x128xf32, #tpu.memory_space<vmem_shared>> -> memref<10240x128xf32, #tpu.memory_space<vmem_shared>>
      tpu.wait_indirect_dma semaphore(%arg15 : memref<!tpu.dma_semaphore, #tpu.memory_space<semaphore_mem>>) src(%arg12 : memref<88x128xf32, #tpu.memory_space<vmem>>) dst(%dma_wait3A_235 : memref<10240x128xf32, #tpu.memory_space<vmem_shared>>)
      %mul3A_236 = arith.constant 2 : i32
      %mul3A_237 = arith.muli %mul3A_236, %scan3A_130 : i32
      %add3A_238 = arith.constant 1 : i32
      %add3A_239 = arith.addi %mul3A_237, %add3A_238 : i32
      %add3A_240 = arith.constant 2 : i32
      %add3A_241 = arith.addi %add3A_239, %add3A_240 : i32
      %add3A_242 = arith.addi %mul3A_4, %add3A_241 : i32
      "tpu.region"() ({
        %run_scoped3A = tpu.sem_alloc : memref<!tpu.dma_semaphore, #tpu.memory_space<semaphore_mem>>
        %dma_start3A_257 = arith.constant 0 : i32
        %dma_start3A_258 = arith.constant 0 : i32
        %dma_start3A_259 = tpu.memref_slice %arg5[%add3A_242, %dma_start3A_257, %dma_start3A_258] : memref<3648x2x88xi32, #tpu.memory_space<hbm>> -> memref<1x2x88xi32, #tpu.memory_space<hbm>>
        %dma_start3A_260 = tpu.memref_squeeze %dma_start3A_259 : memref<1x2x88xi32, #tpu.memory_space<hbm>> -> memref<2x88xi32, #tpu.memory_space<hbm>>
        %dma_start3A_261 = arith.constant 0 : i32
        %dma_start3A_262 = arith.constant 0 : i32
        %dma_start3A_263 = tpu.memref_slice %arg5[%add3A_242, %dma_start3A_261, %dma_start3A_262] : memref<3648x2x88xi32, #tpu.memory_space<hbm>> -> memref<1x2x88xi32, #tpu.memory_space<hbm>>
        %dma_start3A_264 = tpu.memref_squeeze %dma_start3A_263 : memref<1x2x88xi32, #tpu.memory_space<hbm>> -> memref<2x88xi32, #tpu.memory_space<hbm>>
        tpu.enqueue_dma source(%dma_start3A_264 : memref<2x88xi32, #tpu.memory_space<hbm>>) target(%arg8 : memref<2x88xi32, #tpu.memory_space<vmem>>) target_semaphore(%run_scoped3A : memref<!tpu.dma_semaphore, #tpu.memory_space<semaphore_mem>>)
        %dma_wait3A_265 = arith.constant 0 : i32
        %dma_wait3A_266 = arith.constant 0 : i32
        %dma_wait3A_267 = tpu.memref_slice %arg5[%add3A_242, %dma_wait3A_265, %dma_wait3A_266] : memref<3648x2x88xi32, #tpu.memory_space<hbm>> -> memref<1x2x88xi32, #tpu.memory_space<hbm>>
        %dma_wait3A_268 = tpu.memref_squeeze %dma_wait3A_267 : memref<1x2x88xi32, #tpu.memory_space<hbm>> -> memref<2x88xi32, #tpu.memory_space<hbm>>
        %dma_wait3A_269 = arith.constant 0 : i32
        %dma_wait3A_270 = arith.constant 0 : i32
        %dma_wait3A_271 = tpu.memref_slice %arg5[%add3A_242, %dma_wait3A_269, %dma_wait3A_270] : memref<3648x2x88xi32, #tpu.memory_space<hbm>> -> memref<1x2x88xi32, #tpu.memory_space<hbm>>
        %dma_wait3A_272 = tpu.memref_squeeze %dma_wait3A_271 : memref<1x2x88xi32, #tpu.memory_space<hbm>> -> memref<2x88xi32, #tpu.memory_space<hbm>>
        tpu.wait_dma2 semaphore(%run_scoped3A : memref<!tpu.dma_semaphore, #tpu.memory_space<semaphore_mem>>) src(%dma_wait3A_272 : memref<2x88xi32, #tpu.memory_space<hbm>>) dst(%arg8 : memref<2x88xi32, #tpu.memory_space<vmem>>)
        tpu.yield
      }) : () -> ()
      %dma_start3A_243 = arith.constant 0 : i32
      %dma_start3A_244 = arith.constant 0 : i32
      %dma_start3A_245 = tpu.memref_slice %arg8[%dma_start3A_243, %dma_start3A_244] : memref<2x88xi32, #tpu.memory_space<vmem>> -> memref<1x88xi32, #tpu.memory_space<vmem>>
      %dma_start3A_246 = tpu.memref_squeeze %dma_start3A_245 : memref<1x88xi32, #tpu.memory_space<vmem>> -> memref<88xi32, #tpu.memory_space<vmem>>
      %dma_start3A_247 = arith.constant 0 : i32
      %dma_start3A_248 = arith.constant 0 : i32
      %dma_start3A_249 = tpu.memref_slice %arg2[%dma_start3A_247, %dma_start3A_248] : memref<10240x128xf32, #tpu.memory_space<hbm>> -> memref<10240x128xf32, #tpu.memory_space<hbm>>
      tpu.enqueue_indirect_dma source(%dma_start3A_249 : memref<10240x128xf32, #tpu.memory_space<hbm>>) target(%arg10 : memref<88x128xf32, #tpu.memory_space<vmem>>) offsets(%dma_start3A_246 : memref<88xi32, #tpu.memory_space<vmem>>) semaphore(%arg15 : memref<!tpu.dma_semaphore, #tpu.memory_space<semaphore_mem>>)
      %dma_start3A_250 = arith.constant 1 : i32
      %dma_start3A_251 = arith.constant 0 : i32
      %dma_start3A_252 = tpu.memref_slice %arg8[%dma_start3A_250, %dma_start3A_251] : memref<2x88xi32, #tpu.memory_space<vmem>> -> memref<1x88xi32, #tpu.memory_space<vmem>>
      %dma_start3A_253 = tpu.memref_squeeze %dma_start3A_252 : memref<1x88xi32, #tpu.memory_space<vmem>> -> memref<88xi32, #tpu.memory_space<vmem>>
      %dma_start3A_254 = arith.constant 0 : i32
      %dma_start3A_255 = arith.constant 0 : i32
      %dma_start3A_256 = tpu.memref_slice %arg3[%dma_start3A_254, %dma_start3A_255] : memref<10240x128xf32, #tpu.memory_space<hbm>> -> memref<10240x128xf32, #tpu.memory_space<hbm>>
      tpu.enqueue_indirect_dma source(%dma_start3A_256 : memref<10240x128xf32, #tpu.memory_space<hbm>>) target(%arg12 : memref<88x128xf32, #tpu.memory_space<vmem>>) offsets(%dma_start3A_253 : memref<88xi32, #tpu.memory_space<vmem>>) semaphore(%arg17 : memref<!tpu.dma_semaphore, #tpu.memory_space<semaphore_mem>>)
    }
    %scan3A_40 = arith.constant 56 : i32
    %dma_wait3A = arith.constant 0 : i32
    %dma_wait3A_41 = arith.constant 0 : i32
    %dma_wait3A_42 = tpu.memref_slice %arg7[%dma_wait3A, %dma_wait3A_41] : memref<2x88xi32, #tpu.memory_space<vmem>> -> memref<1x88xi32, #tpu.memory_space<vmem>>
    %dma_wait3A_43 = tpu.memref_squeeze %dma_wait3A_42 : memref<1x88xi32, #tpu.memory_space<vmem>> -> memref<88xi32, #tpu.memory_space<vmem>>
    %dma_wait3A_44 = arith.constant 0 : i32
    %dma_wait3A_45 = arith.constant 0 : i32
    %dma_wait3A_46 = tpu.memref_slice %arg2[%dma_wait3A_44, %dma_wait3A_45] : memref<10240x128xf32, #tpu.memory_space<hbm>> -> memref<10240x128xf32, #tpu.memory_space<hbm>>
    tpu.wait_indirect_dma semaphore(%arg14 : memref<!tpu.dma_semaphore, #tpu.memory_space<semaphore_mem>>) src(%dma_wait3A_46 : memref<10240x128xf32, #tpu.memory_space<hbm>>) dst(%arg9 : memref<88x128xf32, #tpu.memory_space<vmem>>)
    %dma_wait3A_47 = arith.constant 1 : i32
    %dma_wait3A_48 = arith.constant 0 : i32
    %dma_wait3A_49 = tpu.memref_slice %arg7[%dma_wait3A_47, %dma_wait3A_48] : memref<2x88xi32, #tpu.memory_space<vmem>> -> memref<1x88xi32, #tpu.memory_space<vmem>>
    %dma_wait3A_50 = tpu.memref_squeeze %dma_wait3A_49 : memref<1x88xi32, #tpu.memory_space<vmem>> -> memref<88xi32, #tpu.memory_space<vmem>>
    %dma_wait3A_51 = arith.constant 0 : i32
    %dma_wait3A_52 = arith.constant 0 : i32
    %dma_wait3A_53 = tpu.memref_slice %arg3[%dma_wait3A_51, %dma_wait3A_52] : memref<10240x128xf32, #tpu.memory_space<hbm>> -> memref<10240x128xf32, #tpu.memory_space<hbm>>
    tpu.wait_indirect_dma semaphore(%arg16 : memref<!tpu.dma_semaphore, #tpu.memory_space<semaphore_mem>>) src(%dma_wait3A_53 : memref<10240x128xf32, #tpu.memory_space<hbm>>) dst(%arg11 : memref<88x128xf32, #tpu.memory_space<vmem>>)
    %dma_start3A_54 = arith.constant 1 : i32
    %dma_start3A_55 = arith.constant 0 : i32
    %dma_start3A_56 = tpu.memref_slice %arg7[%dma_start3A_54, %dma_start3A_55] : memref<2x88xi32, #tpu.memory_space<vmem>> -> memref<1x88xi32, #tpu.memory_space<vmem>>
    %dma_start3A_57 = tpu.memref_squeeze %dma_start3A_56 : memref<1x88xi32, #tpu.memory_space<vmem>> -> memref<88xi32, #tpu.memory_space<vmem>>
    %dma_start3A_58 = arith.constant 0 : i32
    %dma_start3A_59 = arith.constant 0 : i32
    %dma_start3A_60 = tpu.memref_slice %arg13[%dma_start3A_58, %dma_start3A_59] : memref<10240x128xf32, #tpu.memory_space<vmem_shared>> -> memref<10240x128xf32, #tpu.memory_space<vmem_shared>>
    tpu.enqueue_indirect_dma source(%arg9 : memref<88x128xf32, #tpu.memory_space<vmem>>) target(%dma_start3A_60 : memref<10240x128xf32, #tpu.memory_space<vmem_shared>>) offsets(%dma_start3A_57 : memref<88xi32, #tpu.memory_space<vmem>>) semaphore(%arg18 : memref<!tpu.dma_semaphore, #tpu.memory_space<semaphore_mem>>) {add = true}
    %dma_start3A_61 = arith.constant 0 : i32
    %dma_start3A_62 = arith.constant 0 : i32
    %dma_start3A_63 = tpu.memref_slice %arg7[%dma_start3A_61, %dma_start3A_62] : memref<2x88xi32, #tpu.memory_space<vmem>> -> memref<1x88xi32, #tpu.memory_space<vmem>>
    %dma_start3A_64 = tpu.memref_squeeze %dma_start3A_63 : memref<1x88xi32, #tpu.memory_space<vmem>> -> memref<88xi32, #tpu.memory_space<vmem>>
    %dma_start3A_65 = arith.constant 0 : i32
    %dma_start3A_66 = arith.constant 0 : i32
    %dma_start3A_67 = tpu.memref_slice %arg13[%dma_start3A_65, %dma_start3A_66] : memref<10240x128xf32, #tpu.memory_space<vmem_shared>> -> memref<10240x128xf32, #tpu.memory_space<vmem_shared>>
    tpu.enqueue_indirect_dma source(%arg11 : memref<88x128xf32, #tpu.memory_space<vmem>>) target(%dma_start3A_67 : memref<10240x128xf32, #tpu.memory_space<vmem_shared>>) offsets(%dma_start3A_64 : memref<88xi32, #tpu.memory_space<vmem>>) semaphore(%arg14 : memref<!tpu.dma_semaphore, #tpu.memory_space<semaphore_mem>>) {add = true}
    %dma_wait3A_68 = arith.constant 1 : i32
    %dma_wait3A_69 = arith.constant 0 : i32
    %dma_wait3A_70 = tpu.memref_slice %arg7[%dma_wait3A_68, %dma_wait3A_69] : memref<2x88xi32, #tpu.memory_space<vmem>> -> memref<1x88xi32, #tpu.memory_space<vmem>>
    %dma_wait3A_71 = tpu.memref_squeeze %dma_wait3A_70 : memref<1x88xi32, #tpu.memory_space<vmem>> -> memref<88xi32, #tpu.memory_space<vmem>>
    %dma_wait3A_72 = arith.constant 0 : i32
    %dma_wait3A_73 = arith.constant 0 : i32
    %dma_wait3A_74 = tpu.memref_slice %arg13[%dma_wait3A_72, %dma_wait3A_73] : memref<10240x128xf32, #tpu.memory_space<vmem_shared>> -> memref<10240x128xf32, #tpu.memory_space<vmem_shared>>
    tpu.wait_indirect_dma semaphore(%arg18 : memref<!tpu.dma_semaphore, #tpu.memory_space<semaphore_mem>>) src(%arg9 : memref<88x128xf32, #tpu.memory_space<vmem>>) dst(%dma_wait3A_74 : memref<10240x128xf32, #tpu.memory_space<vmem_shared>>)
    %dma_wait3A_75 = arith.constant 0 : i32
    %dma_wait3A_76 = arith.constant 0 : i32
    %dma_wait3A_77 = tpu.memref_slice %arg7[%dma_wait3A_75, %dma_wait3A_76] : memref<2x88xi32, #tpu.memory_space<vmem>> -> memref<1x88xi32, #tpu.memory_space<vmem>>
    %dma_wait3A_78 = tpu.memref_squeeze %dma_wait3A_77 : memref<1x88xi32, #tpu.memory_space<vmem>> -> memref<88xi32, #tpu.memory_space<vmem>>
    %dma_wait3A_79 = arith.constant 0 : i32
    %dma_wait3A_80 = arith.constant 0 : i32
    %dma_wait3A_81 = tpu.memref_slice %arg13[%dma_wait3A_79, %dma_wait3A_80] : memref<10240x128xf32, #tpu.memory_space<vmem_shared>> -> memref<10240x128xf32, #tpu.memory_space<vmem_shared>>
    tpu.wait_indirect_dma semaphore(%arg14 : memref<!tpu.dma_semaphore, #tpu.memory_space<semaphore_mem>>) src(%arg11 : memref<88x128xf32, #tpu.memory_space<vmem>>) dst(%dma_wait3A_81 : memref<10240x128xf32, #tpu.memory_space<vmem_shared>>)
    %dma_wait3A_82 = arith.constant 0 : i32
    %dma_wait3A_83 = arith.constant 0 : i32
    %dma_wait3A_84 = tpu.memref_slice %arg8[%dma_wait3A_82, %dma_wait3A_83] : memref<2x88xi32, #tpu.memory_space<vmem>> -> memref<1x88xi32, #tpu.memory_space<vmem>>
    %dma_wait3A_85 = tpu.memref_squeeze %dma_wait3A_84 : memref<1x88xi32, #tpu.memory_space<vmem>> -> memref<88xi32, #tpu.memory_space<vmem>>
    %dma_wait3A_86 = arith.constant 0 : i32
    %dma_wait3A_87 = arith.constant 0 : i32
    %dma_wait3A_88 = tpu.memref_slice %arg2[%dma_wait3A_86, %dma_wait3A_87] : memref<10240x128xf32, #tpu.memory_space<hbm>> -> memref<10240x128xf32, #tpu.memory_space<hbm>>
    tpu.wait_indirect_dma semaphore(%arg15 : memref<!tpu.dma_semaphore, #tpu.memory_space<semaphore_mem>>) src(%dma_wait3A_88 : memref<10240x128xf32, #tpu.memory_space<hbm>>) dst(%arg10 : memref<88x128xf32, #tpu.memory_space<vmem>>)
    %dma_wait3A_89 = arith.constant 1 : i32
    %dma_wait3A_90 = arith.constant 0 : i32
    %dma_wait3A_91 = tpu.memref_slice %arg8[%dma_wait3A_89, %dma_wait3A_90] : memref<2x88xi32, #tpu.memory_space<vmem>> -> memref<1x88xi32, #tpu.memory_space<vmem>>
    %dma_wait3A_92 = tpu.memref_squeeze %dma_wait3A_91 : memref<1x88xi32, #tpu.memory_space<vmem>> -> memref<88xi32, #tpu.memory_space<vmem>>
    %dma_wait3A_93 = arith.constant 0 : i32
    %dma_wait3A_94 = arith.constant 0 : i32
    %dma_wait3A_95 = tpu.memref_slice %arg3[%dma_wait3A_93, %dma_wait3A_94] : memref<10240x128xf32, #tpu.memory_space<hbm>> -> memref<10240x128xf32, #tpu.memory_space<hbm>>
    tpu.wait_indirect_dma semaphore(%arg17 : memref<!tpu.dma_semaphore, #tpu.memory_space<semaphore_mem>>) src(%dma_wait3A_95 : memref<10240x128xf32, #tpu.memory_space<hbm>>) dst(%arg12 : memref<88x128xf32, #tpu.memory_space<vmem>>)
    %dma_start3A_96 = arith.constant 1 : i32
    %dma_start3A_97 = arith.constant 0 : i32
    %dma_start3A_98 = tpu.memref_slice %arg8[%dma_start3A_96, %dma_start3A_97] : memref<2x88xi32, #tpu.memory_space<vmem>> -> memref<1x88xi32, #tpu.memory_space<vmem>>
    %dma_start3A_99 = tpu.memref_squeeze %dma_start3A_98 : memref<1x88xi32, #tpu.memory_space<vmem>> -> memref<88xi32, #tpu.memory_space<vmem>>
    %dma_start3A_100 = arith.constant 0 : i32
    %dma_start3A_101 = arith.constant 0 : i32
    %dma_start3A_102 = tpu.memref_slice %arg13[%dma_start3A_100, %dma_start3A_101] : memref<10240x128xf32, #tpu.memory_space<vmem_shared>> -> memref<10240x128xf32, #tpu.memory_space<vmem_shared>>
    tpu.enqueue_indirect_dma source(%arg10 : memref<88x128xf32, #tpu.memory_space<vmem>>) target(%dma_start3A_102 : memref<10240x128xf32, #tpu.memory_space<vmem_shared>>) offsets(%dma_start3A_99 : memref<88xi32, #tpu.memory_space<vmem>>) semaphore(%arg19 : memref<!tpu.dma_semaphore, #tpu.memory_space<semaphore_mem>>) {add = true}
    %dma_start3A_103 = arith.constant 0 : i32
    %dma_start3A_104 = arith.constant 0 : i32
    %dma_start3A_105 = tpu.memref_slice %arg8[%dma_start3A_103, %dma_start3A_104] : memref<2x88xi32, #tpu.memory_space<vmem>> -> memref<1x88xi32, #tpu.memory_space<vmem>>
    %dma_start3A_106 = tpu.memref_squeeze %dma_start3A_105 : memref<1x88xi32, #tpu.memory_space<vmem>> -> memref<88xi32, #tpu.memory_space<vmem>>
    %dma_start3A_107 = arith.constant 0 : i32
    %dma_start3A_108 = arith.constant 0 : i32
    %dma_start3A_109 = tpu.memref_slice %arg13[%dma_start3A_107, %dma_start3A_108] : memref<10240x128xf32, #tpu.memory_space<vmem_shared>> -> memref<10240x128xf32, #tpu.memory_space<vmem_shared>>
    tpu.enqueue_indirect_dma source(%arg12 : memref<88x128xf32, #tpu.memory_space<vmem>>) target(%dma_start3A_109 : memref<10240x128xf32, #tpu.memory_space<vmem_shared>>) offsets(%dma_start3A_106 : memref<88xi32, #tpu.memory_space<vmem>>) semaphore(%arg15 : memref<!tpu.dma_semaphore, #tpu.memory_space<semaphore_mem>>) {add = true}
    %dma_wait3A_110 = arith.constant 1 : i32
    %dma_wait3A_111 = arith.constant 0 : i32
    %dma_wait3A_112 = tpu.memref_slice %arg8[%dma_wait3A_110, %dma_wait3A_111] : memref<2x88xi32, #tpu.memory_space<vmem>> -> memref<1x88xi32, #tpu.memory_space<vmem>>
    %dma_wait3A_113 = tpu.memref_squeeze %dma_wait3A_112 : memref<1x88xi32, #tpu.memory_space<vmem>> -> memref<88xi32, #tpu.memory_space<vmem>>
    %dma_wait3A_114 = arith.constant 0 : i32
    %dma_wait3A_115 = arith.constant 0 : i32
    %dma_wait3A_116 = tpu.memref_slice %arg13[%dma_wait3A_114, %dma_wait3A_115] : memref<10240x128xf32, #tpu.memory_space<vmem_shared>> -> memref<10240x128xf32, #tpu.memory_space<vmem_shared>>
    tpu.wait_indirect_dma semaphore(%arg19 : memref<!tpu.dma_semaphore, #tpu.memory_space<semaphore_mem>>) src(%arg10 : memref<88x128xf32, #tpu.memory_space<vmem>>) dst(%dma_wait3A_116 : memref<10240x128xf32, #tpu.memory_space<vmem_shared>>)
    %dma_wait3A_117 = arith.constant 0 : i32
    %dma_wait3A_118 = arith.constant 0 : i32
    %dma_wait3A_119 = tpu.memref_slice %arg8[%dma_wait3A_117, %dma_wait3A_118] : memref<2x88xi32, #tpu.memory_space<vmem>> -> memref<1x88xi32, #tpu.memory_space<vmem>>
    %dma_wait3A_120 = tpu.memref_squeeze %dma_wait3A_119 : memref<1x88xi32, #tpu.memory_space<vmem>> -> memref<88xi32, #tpu.memory_space<vmem>>
    %dma_wait3A_121 = arith.constant 0 : i32
    %dma_wait3A_122 = arith.constant 0 : i32
    %dma_wait3A_123 = tpu.memref_slice %arg13[%dma_wait3A_121, %dma_wait3A_122] : memref<10240x128xf32, #tpu.memory_space<vmem_shared>> -> memref<10240x128xf32, #tpu.memory_space<vmem_shared>>
    tpu.wait_indirect_dma semaphore(%arg15 : memref<!tpu.dma_semaphore, #tpu.memory_space<semaphore_mem>>) src(%arg12 : memref<88x128xf32, #tpu.memory_space<vmem>>) dst(%dma_wait3A_123 : memref<10240x128xf32, #tpu.memory_space<vmem_shared>>)
    %barrier3A_124 = arith.constant 0 : index
    tpu.barrier barrier_id(%barrier3A_124)
    %mul3A_125 = arith.constant 10240 : i32
    %mul3A_126 = arith.muli %arg0, %mul3A_125 : i32
    %mul3A_127 = arith.constant 640 : i32
    %mul3A_128 = arith.muli %arg1, %mul3A_127 : i32
    %add3A_129 = arith.addi %mul3A_126, %mul3A_128 : i32
    "tpu.region"() ({
      %run_scoped3A = tpu.sem_alloc : memref<!tpu.dma_semaphore, #tpu.memory_space<semaphore_mem>>
      %dma_start3A_130 = arith.constant 0 : i32
      %dma_start3A_131 = tpu.memref_slice %arg6[%add3A_129, %dma_start3A_130] : memref<20480x128xf32, #tpu.memory_space<hbm>> -> memref<640x128xf32, #tpu.memory_space<hbm>>
      %dma_start3A_132 = arith.constant 0 : i32
      %dma_start3A_133 = tpu.memref_slice %arg13[%mul3A_2, %dma_start3A_132] : memref<10240x128xf32, #tpu.memory_space<vmem_shared>> -> memref<640x128xf32, #tpu.memory_space<vmem_shared>>
      tpu.enqueue_dma source(%dma_start3A_133 : memref<640x128xf32, #tpu.memory_space<vmem_shared>>) target(%dma_start3A_131 : memref<640x128xf32, #tpu.memory_space<hbm>>) target_semaphore(%run_scoped3A : memref<!tpu.dma_semaphore, #tpu.memory_space<semaphore_mem>>)
      %dma_wait3A_134 = arith.constant 0 : i32
      %dma_wait3A_135 = tpu.memref_slice %arg6[%add3A_129, %dma_wait3A_134] : memref<20480x128xf32, #tpu.memory_space<hbm>> -> memref<640x128xf32, #tpu.memory_space<hbm>>
      %dma_wait3A_136 = arith.constant 0 : i32
      %dma_wait3A_137 = tpu.memref_slice %arg13[%mul3A_2, %dma_wait3A_136] : memref<10240x128xf32, #tpu.memory_space<vmem_shared>> -> memref<640x128xf32, #tpu.memory_space<vmem_shared>>
      tpu.wait_dma2 semaphore(%run_scoped3A : memref<!tpu.dma_semaphore, #tpu.memory_space<semaphore_mem>>) src(%dma_wait3A_137 : memref<640x128xf32, #tpu.memory_space<vmem_shared>>) dst(%dma_wait3A_135 : memref<640x128xf32, #tpu.memory_space<hbm>>)
      tpu.yield
    }) : () -> ()
    return
  }
}

module attributes {stable_mosaic.version = 14 : i64} {
  func.func @body(%arg0: i32, %arg1: memref<80x128xf32, #tpu.memory_space<vmem>>, %arg2: memref<128x128xf32, #tpu.memory_space<vmem>>, %arg3: memref<128x128xf32, #tpu.memory_space<vmem>>, %arg4: memref<128x128xf32, #tpu.memory_space<vmem>>, %arg5: memref<3x128xf32, #tpu.memory_space<vmem>>, %arg6: memref<80x128xf32, #tpu.memory_space<vmem>>, %arg7: memref<80x128xf32, #tpu.memory_space<vmem>>, %arg8: memref<80x128xf32, #tpu.memory_space<vmem>>) attributes {dimension_semantics = [#tpu.dimension_semantics<arbitrary>], iteration_bounds = array<i64: 125>, scalar_prefetch = 0 : i64, scratch_operands = 0 : i64, tpu.core_type = #tpu.core_type<tc>, window_params = [{transform_indices = @transform_0, window_bounds = array<i64: 80, 128>}, {pipeline_mode = #tpu.pipeline_mode<synchronous>, transform_indices = @transform_1, window_bounds = array<i64: 128, 128>}, {pipeline_mode = #tpu.pipeline_mode<synchronous>, transform_indices = @transform_2, window_bounds = array<i64: 128, 128>}, {pipeline_mode = #tpu.pipeline_mode<synchronous>, transform_indices = @transform_3, window_bounds = array<i64: 128, 128>}, {pipeline_mode = #tpu.pipeline_mode<synchronous>, transform_indices = @transform_4, window_bounds = array<i64: 3, 128>}, {transform_indices = @transform_5, window_bounds = array<i64: 80, 128>}, {transform_indices = @transform_6, window_bounds = array<i64: 80, 128>}, {transform_indices = @transform_7, window_bounds = array<i64: 80, 128>}]} {
    %get3A = arith.constant 0 : index
    %get3A_0 = arith.constant 0 : index
    %get3A_1 = vector.load %arg1[%get3A, %get3A_0] : memref<80x128xf32, #tpu.memory_space<vmem>>, vector<80x128xf32>
    %get3A_2 = arith.constant 0 : index
    %get3A_3 = arith.constant 0 : index
    %get3A_4 = vector.load %arg5[%get3A_2, %get3A_3] : memref<3x128xf32, #tpu.memory_space<vmem>>, vector<3x128xf32>
    %get3A_5 = arith.constant 0 : index
    %get3A_6 = arith.constant 0 : index
    %get3A_7 = vector.load %arg2[%get3A_5, %get3A_6] : memref<128x128xf32, #tpu.memory_space<vmem>>, vector<128x128xf32>
    %dot_general3A = arith.constant dense<0.000000e+00> : vector<80x128xf32>
    %dot_general3A_8 = tpu.matmul %get3A_1, %get3A_7, %dot_general3A {dimension_numbers = #tpu.dot_dimension_numbers<[1], [1], [0], [0], [0, 0, 1, 0], [], []>, transpose_lhs_hint = false} : vector<80x128xf32>, vector<128x128xf32>, vector<80x128xf32> -> vector<80x128xf32>
    %slice3A = vector.extract_strided_slice %get3A_4 {offsets = [0, 0], sizes = [1, 128], strides = [1, 1]} : vector<3x128xf32> to vector<1x128xf32>
    %squeeze3A = vector.shape_cast %slice3A : vector<1x128xf32> to vector<128xf32>
    %broadcast_in_dim3A = vector.shape_cast %squeeze3A : vector<128xf32> to vector<1x128xf32>
    %add3A = vector.broadcast %broadcast_in_dim3A : vector<1x128xf32> to vector<80x128xf32>
    %add3A_9 = arith.addf %dot_general3A_8, %add3A : vector<80x128xf32>
    %swap3A = arith.constant 0 : index
    %swap3A_10 = arith.constant 0 : index
    %swap3A_11 = vector.load %arg6[%swap3A, %swap3A_10] : memref<80x128xf32, #tpu.memory_space<vmem>>, vector<80x128xf32>
    tpu.vector_store %arg6[%swap3A, %swap3A_10], %add3A_9 {strides = array<i32>} : memref<80x128xf32, #tpu.memory_space<vmem>>, vector<80x128xf32>,
    %get3A_12 = arith.constant 0 : index
    %get3A_13 = arith.constant 0 : index
    %get3A_14 = vector.load %arg3[%get3A_12, %get3A_13] : memref<128x128xf32, #tpu.memory_space<vmem>>, vector<128x128xf32>
    %dot_general3A_15 = arith.constant dense<0.000000e+00> : vector<80x128xf32>
    %dot_general3A_16 = tpu.matmul %get3A_1, %get3A_14, %dot_general3A_15 {dimension_numbers = #tpu.dot_dimension_numbers<[1], [1], [0], [0], [0, 0, 1, 0], [], []>, transpose_lhs_hint = false} : vector<80x128xf32>, vector<128x128xf32>, vector<80x128xf32> -> vector<80x128xf32>
    %slice3A_17 = vector.extract_strided_slice %get3A_4 {offsets = [1, 0], sizes = [1, 128], strides = [1, 1]} : vector<3x128xf32> to vector<1x128xf32>
    %squeeze3A_18 = vector.shape_cast %slice3A_17 : vector<1x128xf32> to vector<128xf32>
    %broadcast_in_dim3A_19 = vector.shape_cast %squeeze3A_18 : vector<128xf32> to vector<1x128xf32>
    %add3A_20 = vector.broadcast %broadcast_in_dim3A_19 : vector<1x128xf32> to vector<80x128xf32>
    %add3A_21 = arith.addf %dot_general3A_16, %add3A_20 : vector<80x128xf32>
    %swap3A_22 = arith.constant 0 : index
    %swap3A_23 = arith.constant 0 : index
    %swap3A_24 = vector.load %arg7[%swap3A_22, %swap3A_23] : memref<80x128xf32, #tpu.memory_space<vmem>>, vector<80x128xf32>
    tpu.vector_store %arg7[%swap3A_22, %swap3A_23], %add3A_21 {strides = array<i32>} : memref<80x128xf32, #tpu.memory_space<vmem>>, vector<80x128xf32>,
    %get3A_25 = arith.constant 0 : index
    %get3A_26 = arith.constant 0 : index
    %get3A_27 = vector.load %arg4[%get3A_25, %get3A_26] : memref<128x128xf32, #tpu.memory_space<vmem>>, vector<128x128xf32>
    %dot_general3A_28 = arith.constant dense<0.000000e+00> : vector<80x128xf32>
    %dot_general3A_29 = tpu.matmul %get3A_1, %get3A_27, %dot_general3A_28 {dimension_numbers = #tpu.dot_dimension_numbers<[1], [1], [0], [0], [0, 0, 1, 0], [], []>, transpose_lhs_hint = false} : vector<80x128xf32>, vector<128x128xf32>, vector<80x128xf32> -> vector<80x128xf32>
    %slice3A_30 = vector.extract_strided_slice %get3A_4 {offsets = [2, 0], sizes = [1, 128], strides = [1, 1]} : vector<3x128xf32> to vector<1x128xf32>
    %squeeze3A_31 = vector.shape_cast %slice3A_30 : vector<1x128xf32> to vector<128xf32>
    %broadcast_in_dim3A_32 = vector.shape_cast %squeeze3A_31 : vector<128xf32> to vector<1x128xf32>
    %add3A_33 = vector.broadcast %broadcast_in_dim3A_32 : vector<1x128xf32> to vector<80x128xf32>
    %add3A_34 = arith.addf %dot_general3A_29, %add3A_33 : vector<80x128xf32>
    %swap3A_35 = arith.constant 0 : index
    %swap3A_36 = arith.constant 0 : index
    %swap3A_37 = vector.load %arg8[%swap3A_35, %swap3A_36] : memref<80x128xf32, #tpu.memory_space<vmem>>, vector<80x128xf32>
    tpu.vector_store %arg8[%swap3A_35, %swap3A_36], %add3A_34 {strides = array<i32>} : memref<80x128xf32, #tpu.memory_space<vmem>>, vector<80x128xf32>,
    return
  }
  func.func @transform_0(%arg0: i32) -> (i32, i32) {
    %c0_i32 = arith.constant 0 : i32
    %c0_i32_0 = arith.constant 0 : i32
    return %arg0, %c0_i32 : i32, i32
  }
  func.func @transform_1(%arg0: i32) -> (i32, i32) {
    %c0_i32 = arith.constant 0 : i32
    %c0_i32_0 = arith.constant 0 : i32
    %c0_i32_1 = arith.constant 0 : i32
    return %c0_i32, %c0_i32_0 : i32, i32
  }
  func.func @transform_2(%arg0: i32) -> (i32, i32) {
    %c0_i32 = arith.constant 0 : i32
    %c0_i32_0 = arith.constant 0 : i32
    %c0_i32_1 = arith.constant 0 : i32
    return %c0_i32, %c0_i32_0 : i32, i32
  }
  func.func @transform_3(%arg0: i32) -> (i32, i32) {
    %c0_i32 = arith.constant 0 : i32
    %c0_i32_0 = arith.constant 0 : i32
    %c0_i32_1 = arith.constant 0 : i32
    return %c0_i32, %c0_i32_0 : i32, i32
  }
  func.func @transform_4(%arg0: i32) -> (i32, i32) {
    %c0_i32 = arith.constant 0 : i32
    %c0_i32_0 = arith.constant 0 : i32
    %c0_i32_1 = arith.constant 0 : i32
    return %c0_i32, %c0_i32_0 : i32, i32
  }
  func.func @transform_5(%arg0: i32) -> (i32, i32) {
    %c0_i32 = arith.constant 0 : i32
    %c0_i32_0 = arith.constant 0 : i32
    return %arg0, %c0_i32 : i32, i32
  }
  func.func @transform_6(%arg0: i32) -> (i32, i32) {
    %c0_i32 = arith.constant 0 : i32
    %c0_i32_0 = arith.constant 0 : i32
    return %arg0, %c0_i32 : i32, i32
  }
  func.func @transform_7(%arg0: i32) -> (i32, i32) {
    %c0_i32 = arith.constant 0 : i32
    %c0_i32_0 = arith.constant 0 : i32
    return %arg0, %c0_i32 : i32, i32
  }
}

module attributes {stable_mosaic.version = 14 : i64} {
  func.func @body(%arg0: i32, %arg1: memref<80x128xf32, #tpu.memory_space<vmem>>, %arg2: memref<80x128xf32, #tpu.memory_space<vmem>>, %arg3: memref<80x128xf32, #tpu.memory_space<vmem>>, %arg4: memref<80x128xf32, #tpu.memory_space<vmem>>) attributes {dimension_semantics = [#tpu.dimension_semantics<arbitrary>], iteration_bounds = array<i64: 125>, scalar_prefetch = 0 : i64, scratch_operands = 0 : i64, tpu.core_type = #tpu.core_type<tc>, window_params = [{transform_indices = @transform_0, window_bounds = array<i64: 80, 128>}, {transform_indices = @transform_1, window_bounds = array<i64: 80, 128>}, {transform_indices = @transform_2, window_bounds = array<i64: 80, 128>}, {transform_indices = @transform_3, window_bounds = array<i64: 80, 128>}]} {
    %get3A = arith.constant 0 : index
    %get3A_0 = arith.constant 0 : index
    %get3A_1 = vector.load %arg1[%get3A, %get3A_0] : memref<80x128xf32, #tpu.memory_space<vmem>>, vector<80x128xf32>
    %get3A_2 = arith.constant 0 : index
    %get3A_3 = arith.constant 0 : index
    %get3A_4 = vector.load %arg2[%get3A_2, %get3A_3] : memref<80x128xf32, #tpu.memory_space<vmem>>, vector<80x128xf32>
    %add3A = arith.addf %get3A_1, %get3A_4 : vector<80x128xf32>
    %get3A_5 = arith.constant 0 : index
    %get3A_6 = arith.constant 0 : index
    %get3A_7 = vector.load %arg3[%get3A_5, %get3A_6] : memref<80x128xf32, #tpu.memory_space<vmem>>, vector<80x128xf32>
    %sub3A = arith.subf %add3A, %get3A_7 : vector<80x128xf32>
    %mul3A = arith.constant 5.000000e-01 : f32
    %mul3A_8 = vector.broadcast %mul3A : f32 to vector<80x128xf32>
    %mul3A_9 = arith.mulf %mul3A_8, %sub3A : vector<80x128xf32>
    %mul3A_10 = arith.constant 0.707106769 : f32
    %mul3A_11 = vector.broadcast %mul3A_10 : f32 to vector<80x128xf32>
    %mul3A_12 = arith.mulf %sub3A, %mul3A_11 : vector<80x128xf32>
    %erf3A = math.erf %mul3A_12 : vector<80x128xf32>
    %add3A_13 = arith.constant 1.000000e+00 : f32
    %add3A_14 = vector.broadcast %add3A_13 : f32 to vector<80x128xf32>
    %add3A_15 = arith.addf %add3A_14, %erf3A : vector<80x128xf32>
    %mul3A_16 = arith.mulf %mul3A_9, %add3A_15 : vector<80x128xf32>
    %swap3A = arith.constant 0 : index
    %swap3A_17 = arith.constant 0 : index
    %swap3A_18 = vector.load %arg4[%swap3A, %swap3A_17] : memref<80x128xf32, #tpu.memory_space<vmem>>, vector<80x128xf32>
    tpu.vector_store %arg4[%swap3A, %swap3A_17], %mul3A_16 {strides = array<i32>} : memref<80x128xf32, #tpu.memory_space<vmem>>, vector<80x128xf32>,
    return
  }
  func.func @transform_0(%arg0: i32) -> (i32, i32) {
    %c0_i32 = arith.constant 0 : i32
    %c0_i32_0 = arith.constant 0 : i32
    return %arg0, %c0_i32 : i32, i32
  }
  func.func @transform_1(%arg0: i32) -> (i32, i32) {
    %add3A = arith.constant 128 : i32
    %add3A_0 = arith.addi %arg0, %add3A : i32
    %c0_i32 = arith.constant 0 : i32
    %c0_i32_1 = arith.constant 0 : i32
    return %add3A_0, %c0_i32 : i32, i32
  }
  func.func @transform_2(%arg0: i32) -> (i32, i32) {
    %c0_i32 = arith.constant 0 : i32
    %c0_i32_0 = arith.constant 0 : i32
    return %arg0, %c0_i32 : i32, i32
  }
  func.func @transform_3(%arg0: i32) -> (i32, i32) {
    %c0_i32 = arith.constant 0 : i32
    %c0_i32_0 = arith.constant 0 : i32
    return %arg0, %c0_i32 : i32, i32
  }
}

</mosaic_0001>

<sc_bundles>
// kernel: kernel.5.cloned.1.call-start
scs
__scs_entry_jumppad:
0x0: {  	(pc) =	sbr.rel $0x88, $3  }
0x1: {  	(tag) =	ssettag $0x0;
	lr =	simm.s32 $0x1  }
0x2: {  	[smem:$0x3F99] =	sst lr;
	_ =	strace $0xD0000000  }
0x3: {  	_ = 	snop  }
0x4: {  	_ = 	snop  }
0x5: {  	_ = 	snop  }
0x6: {  	_ = 	snop  }
0x7: {  	_ = 	snop  }
__scs_overlays_trampoline_lowered:
0x8: {  	[smem:$0x3FA8] =	sst s0  }
0x9: {  	[smem:$0x3FA9] =	sst s1  }
0xa: {  	[smem:$0x3FAA] =	sst s2  }
0xb: {  	[smem:$0x3FAB] =	sst s3  }
0xc: {  	[smem:$0x3FAC] =	sst s4  }
0xd: {  	[smem:$0x3FAD] =	sst s5  }
0xe: {  	[smem:$0x3FAE] =	sst s6  }
0xf: {  	[smem:$0x3FAF] =	sst s7  }
0x10: {  	[smem:$0x3FB0] =	sst s8  }
0x11: {  	[smem:$0x3FB1] =	sst s9;
	s0 =	simm.s32 @!p0 $0x0  }
0x12: {  	s1 =	sld [smem:$0x3F97];
	s0 =	simm.s32 @p0 $0x1  }
0x13: {  	[smem:$0x3FB2] =	sst s0;
	s0 =	simm.s32 @!p1 $0x0  }
0x14: {  	s2 =	sld [smem:$0x3F96];
	s0 =	simm.s32 @p1 $0x1  }
0x15: {  	[smem:$0x3FB3] =	sst s0;
	s0 =	simm.s32 @!p2 $0x0  }
0x16: {  	s3 =	sld [smem:$0x3FDB];
	s0 =	simm.s32 @p2 $0x1  }
0x17: {  	s4 =	simm.s32 $0x1BF5;
	[smem:$0x3FB5] =	sst s0  }
0x18: {  	s0 =	sld [smem:$0x3F98];
	_ =	swait.ge [sflag:s4], $0x0  }
0x19: {  	s7 =	sld [smem:$0x3F99]  }
0x1a: {  	s8 =	sadd.s32 $0xFFFFE003, lr  }
0x1b: {  	s9 =	sadd.s32 $0xFFFFFEF7, lr;
	s5 =	simm.s32 $0xFFFFFFFF;
	p2 =	slt.u32 s8, $0xFFFFF086  }
0x1c: {  	p1 =	slt.u32 s9, $0xF7A;
	s5 =	simm.s32 @!p2 $0x0  }
0x1d: {  	s5 =	simm.s32 @p1 $0x1;
	p0 =	seq.s32 s7, s2  }
0x1e: {  	s7 =	smul.u32 @!p0 $0xF7A, s2;
	p2 =	seq.s32 @!p0 s5, $0x0  }
0x1f: {  	s9 =	smul.u32 $0xF7A, s1;
	s8 =	simm.s32 @!p0 $0x1BF5;
	p2 =	por !p2, p0  }
0x20: {  	[sflag:s8] =	ssyncset.s32 @!p0 $0xFFFFF086;
	s6 =	sadd.s32 @!p0 s3, s7;
	s7 =	simm.s32 @!p0 $0x108  }
0x21: {  	s3 =	sadd.s32 s3, s9;
	s6 =	sadd.s32 @!p0 $0x88, s6;
	s7 =	simm.s32 @p2 $0x1082  }
0x22: {  	[simem:s7], [sflag:s8] =	dma.local @!p0 [hbm:s6], $0xF7A  }
0x23: {  	s9 =	sor.u32 $0xD0000000, s2;
	s6 =	simm.s32 $0x108;
	_ =	swait.ge @!p0 [sflag:s8], $0x0  }
0x24: {  	s3 =	sadd.s32 $0x88, s3;
	s6 =	simm.s32 @!p1 $0x1082;
	[sflag:s4] =	ssyncset.s32 $0xFFFFF086  }
0x25: {  	[simem:s6], [sflag:s4] =	dma.local [hbm:s3], $0xF7A  }
0x26: {  	[smem:$0x3F99] =	sst s1;
	(tag) =	ssettag s2;
	_ =	strace s9  }
0x27: {  	s1 =	sld [smem:$0x3FA9]  }
0x28: {  	s2 =	sld [smem:$0x3FAA]  }
0x29: {  	s4 =	sld [smem:$0x3FAC]  }
0x2a: {  	p0 =	seq.s32 s5, $0x0;
	s5 =	sld [smem:$0x3FAD]  }
0x2b: {  	s6 =	sld [smem:$0x3FAE]  }
0x2c: {  	s7 =	sld [smem:$0x3FAF]  }
0x2d: {  	s3 =	simm.s32 $0x108;
	s8 =	sld [smem:$0x3FB0]  }
0x2e: {  	s3 =	simm.s32 @!p0 $0x1082;
	s9 =	sld [smem:$0x3FB1]  }
0x2f: {  	lr =	sadd.s32 s0, s3;
	s0 =	sld [smem:$0x3FA8]  }
0x30: {  	s3 =	sld [smem:$0x3FAB]  }
0x31: {  	[smem:$0x3FB4] =	sst s10  }
0x32: {  	s10 =	sld [smem:$0x3FB2];
	_ =	sdelay $0x3  }
0x33: {  	p0 =	seq.s32 s10, $0x1;
	s10 =	sld [smem:$0x3FB4];
	_ =	sdelay $0x3  }
0x34: {  	[smem:$0x3FB4] =	sst s10  }
0x35: {  	s10 =	sld [smem:$0x3FB3];
	_ =	sdelay $0x3  }
0x36: {  	p1 =	seq.s32 s10, $0x1;
	s10 =	sld [smem:$0x3FB4];
	_ =	sdelay $0x3  }
0x37: {  	[smem:$0x3FB4] =	sst s10  }
0x38: {  	s10 =	sld [smem:$0x3FB5]  }
0x39: {  	_ = 	snop;
	(pc) =	sbr.ind lr, $3  }
0x3a: {  	_ = 	snop  }
0x3b: {  	_ = 	snop  }
0x3c: {  	p2 =	seq.s32 s10, $0x1;
	s10 =	sld [smem:$0x3FB4]  }
0x3d: {  	_ =	shalt  }
0x3e: {  	_ =	shalt  }
0x3f: {  	_ =	shalt  }
0x40: {  	_ =	shalt  }
0x41: {  	_ =	shalt  }
0x42: {  	_ =	shalt  }
0x43: {  	_ =	shalt  }
0x44: {  	_ =	shalt  }
0x45: {  	_ =	shalt  }
0x46: {  	_ =	shalt  }
0x47: {  	_ =	shalt  }
0x48: {  	_ =	shalt  }
0x49: {  	_ =	shalt  }
0x4a: {  	_ =	shalt  }
0x4b: {  	_ =	shalt  }
0x4c: {  	_ =	shalt  }
0x4d: {  	_ =	shalt  }
0x4e: {  	_ =	shalt  }
0x4f: {  	_ =	shalt  }
0x50: {  	_ =	shalt  }
0x51: {  	_ =	shalt  }
0x52: {  	_ =	shalt  }
0x53: {  	_ =	shalt  }
0x54: {  	_ =	shalt  }
0x55: {  	_ =	shalt  }
0x56: {  	_ =	shalt  }
0x57: {  	_ =	shalt  }
0x58: {  	_ =	shalt  }
0x59: {  	_ =	shalt  }
0x5a: {  	_ =	shalt  }
0x5b: {  	_ =	shalt  }
0x5c: {  	_ =	shalt  }
0x5d: {  	_ =	shalt  }
0x5e: {  	_ =	shalt  }
0x5f: {  	_ =	shalt  }
0x60: {  	_ =	shalt  }
0x61: {  	_ =	shalt  }
0x62: {  	_ =	shalt  }
0x63: {  	_ =	shalt  }
0x64: {  	_ =	shalt  }
0x65: {  	_ =	shalt  }
0x66: {  	_ =	shalt  }
0x67: {  	_ =	shalt  }
0x68: {  	_ =	shalt  }
0x69: {  	_ =	shalt  }
0x6a: {  	_ =	shalt  }
0x6b: {  	_ =	shalt  }
0x6c: {  	_ =	shalt  }
0x6d: {  	_ =	shalt  }
0x6e: {  	_ =	shalt  }
0x6f: {  	_ =	shalt  }
0x70: {  	_ =	shalt  }
0x71: {  	_ =	shalt  }
0x72: {  	_ =	shalt  }
0x73: {  	_ =	shalt  }
0x74: {  	_ =	shalt  }
0x75: {  	_ =	shalt  }
0x76: {  	_ =	shalt  }
0x77: {  	_ =	shalt  }
0x78: {  	_ =	shalt  }
0x79: {  	_ =	shalt  }
0x7a: {  	_ =	shalt  }
0x7b: {  	_ =	shalt  }
0x7c: {  	_ =	shalt  }
0x7d: {  	_ =	shalt  }
0x7e: {  	_ =	shalt  }
0x7f: {  	_ =	shalt  }
0x80: {  	_ =	shalt  }
0x81: {  	_ =	shalt  }
0x82: {  	_ =	shalt  }
0x83: {  	_ =	shalt  }
0x84: {  	_ =	shalt  }
0x85: {  	_ =	shalt  }
0x86: {  	_ =	shalt  }
0x87: {  	_ =	shalt  }
.Lfunc_end0:
.L_simem_size_0:
called_computation_lowered:
.L_overlay_start_0:
0x88: {  	s2 =	sld [smem:$0x3FD9]  }
0x89: {  	s3 =	sld [smem:$0x3FFE];
	_ =	sdelay $0x1  }
0x8a: {  	s1 =	srdreg.scid  }
0x8b: {  	s0 =	sand.u32 $0x1, s1  }
0x8c: {  	s17 =	sshll.u32 s0, $0xA;
	s2 =	sadd.s32 s3, s2  }
0x8d: {  	s2 =	sadd.s32 s2, s17  }
0x8e: {  	[smem:$0x3FC0] =	sst s2  }
0x8f: {  	_ = 	snop  }
0x90: {  	s2 =	sld [smem:$0x3FD0];
	(tm) =	ssettm $0x1  }
0x91: {  	s18 =	sld [smem:$0x3FFB];
	_ =	sdelay $0x3  }
0x92: {  	_ =	strace s18  }
0x93: {  	s3 =	sld [smem:$0x3FFC];
	_ =	sdelay $0x3  }
0x94: {  	_ =	strace s3  }
0x95: {  	s3 =	sld [smem:$0x3FFD];
	_ =	sdelay $0x3  }
0x96: {  	_ =	strace s3  }
0x97: {  	_ =	strace $0x8FFFFFFF  }
0x98: {  	s19 =	sld [smem:$0x3FDB];
	_ =	sdelay $0x1  }
0x99: {  	s4 =	simm.s32 $_scs_section_size  }
0x9a: {  	s5 =	simm.s32 $_size__tile_overlayer_lowered;
	s6 =	simm.s32 $_tile_overlayer_lowered  }
0x9b: {  	s22 =	simm.s32 $0x1BFF;
	s21 =	sshll.u32 s6, $0x1;
	s3 =	sadd.s32 s4, s19  }
0x9c: {  	s7 =	simm.s32 $0x0;
	s20 =	sshll.u32 s5, $0x1;
	s5 =	sadd.s32 s21, s3  }
0x9d: {  	[timem:s7], [sflag:s22] =	dma.local [hbm:s5], s20  }
0x9e: {  	_ =	swait.ge [sflag:s22], s20  }
0x9f: {  	s4 =	ssub.s32 $0x0, s20;
	[sflag:s22] =	ssyncset.done $0x0  }
0xa0: {  	[sflag:s22] =	ssyncadd.s32 s4;
	_ =	sdelay $0x1  }
0xa1: {  	s23 =	simm.s32 $0x1B8B  }
0xa2: {  	_ =	swait.ge [sflag:s23], $0x1  }
0xa3: {  	[sflag:s23] =	ssyncset.done $0x0  }
0xa4: {  	s25 =	simm.s32 $0x1B8E;
	s24 =	sld [smem:$0x3FFE];
	[sflag:s23] =	ssyncadd.s32 $0xFFFFFFFF  }
0xa5: {  	s26 =	simm.s32 $execute0_lowered;
	[smem:$0x3FD2] =	sst s25  }
0xa6: {  	s5 =	sshll.u32 s26, $0x1;
	_ =	strace $0x80000046;
	[dreg:$0x1] =	wrdreg $0xFFFFFFFF  }
0xa7: {  	s28 =	simm.s32 $_size_execute0_lowered;
	s3 =	sadd.s32 s3, s5;
	[dreg:$0x0] =	wrdreg $0x0  }
0xa8: {  	s5 =	sshll.u32 s28, $0x1;
	[dreg:$0x2] =	wrdreg s3  }
0xa9: {  	[dreg:$0x3] =	wrdreg s5  }
0xaa: {  	[dreg:$0x4] =	wrdreg $0xC0  }
0xab: {  	_ =	task [dreg:s7], $0x5FFFF  }
0xac: {  	[dreg:$0x1] =	wrdreg $0xFFFFFFFF  }
0xad: {  	[dreg:$0x0] =	wrdreg $0x60  }
0xae: {  	[dreg:$0x2] =	wrdreg s24  }
0xaf: {  	[dreg:$0x3] =	wrdreg s2  }
0xb0: {  	[dreg:$0x4] =	wrdreg $0xB2000  }
0xb1: {  	[dreg:$0x5] =	wrdreg $0x9  }
0xb2: {  	_ =	task.clear_ibuf [dreg:s7], $0x6FFFF;
	_ =	strace $0x90000046  }
0xb3: {  	s29 =	simm.s32 $0x9;
	_ =	strace $0x80000048  }
0xb4: {  	_ =	swait.ge [sflag:s29], $0x1  }
0xb5: {  	[sflag:s29] =	ssyncadd.s32 $0xFFFFFFFF  }
0xb6: {  	_ =	strace $0x90000048  }
0xb7: {  	_ =	sfence  }
0xb8: {  	s30 =	sld [smem:$0x0];
	_ =	sdelay $0x2  }
0xb9: {  	s31 =	sshll.u32 s1, $0xD;
	s1 =	sshrl.u32 s1, $0x2  }
0xba: {  	s3 =	sand.u32 $0x4000, s31;
	s1 =	sadd.s32 s1, s30  }
0xbb: {  	s0 =	sor.u32 s3, s0;
	s1 =	sshll.u32 s1, $0x11  }
0xbc: {  	s0 =	sor.u32 s1, s0  }
0xbd: {  	s0 =	sadd.s32 $0x8F2B, s0  }
0xbe: {  	[sflag:s0] =	ssyncadd.remote.s32 $0x1  }
0xbf: {  	_ =	sfence.sel $0xFFFF  }
0xc0: {  	[dreg:$0x0] =	wrdreg $0xFFFFFFFF;
	(pc) =	sbr.abs _section_cstart, $3  }
0xc1: {  	[dreg:$0x1] =	wrdreg $0xFFFFFFFF  }
0xc2: {  	_ =	task.clear_ibuf [dreg:s7], $0x2FFFF;
	_ =	strace $0x9FFFFFFF  }
0xc3: {  	(tm) =	ssettm $0x7FFFFFFF  }
tec
execute0_lowered:
.L_overlay_start_1:
0x0: {  	(tag) =	ssettag $0x1  }
0x1: {  	s0 =	rddreg [dreg:$0x0]  }
0x2: {  	s1 =	rddreg [dreg:$0x1]  }
0x3: {  	s2 =	rddreg [dreg:$0x2]  }
0x4: {  	s13 =	stileid.u32;
	s4 =	srdreg.scid  }
0x5: {  	s3 =	simm.s32 $0x0;
	s28 =	simm.s32 $0x2;
	s29 =	simm.s32 $0x4  }
0x6: {  	s30 =	simm.s32 $0x6;
	s31 =	simm.s32 $0x0;
	s6 =	smul.u32 $0x2800, s13  }
0x7: {  	s7 =	sand.u32 $0x1, s4;
	[smem:$0x7FF] =	sst s3;
	s4 =	sadd.s32 $0x2A400, s0  }
0x8: {  	s5 =	sadd.s32 $0x52400, s0;
	s10 =	smul.u32 $0x50000, s13;
	s17 =	sshll.u32 s13, $0x1  }
0x9: {  	s18 =	smul.u32 $0xE4, s13;
	s19 =	sshll.u32 s13, $0x6;
	s23 =	sadd.s32 $0x20, s1  }
0xa: {  	s8 =	smul.u32 $0x28000, s7;
	_ =	strace $0x80000047;
	s15 =	ssub.s32 $0x2, s7  }
0xb: {  	s12 =	smul.u32 $0x72, s7;
	s9 =	sadd.s32 s6, s0;
	s16 =	sshrl.u32 s15, $0x1  }
0xc: {  	s10 =	sshrl.u32 s10, $0x2;
	s6 =	sadd.s32 s6, s8;
	s11 =	ssub.s32 s15, s16  }
0xd: {  	s14 =	sadd.s32 s10, s2;
	s21 =	sadd.s32 $0x2400, s9;
	s22 =	sadd.s32 s12, s18  }
0xe: {  	s15 =	simm.s32 $0x7;
	s16 =	simm.s32 $0x58;
	s18 =	simm.s32 $0x80  }
0xf: {  	s0 =	sadd.s32 s6, s0;
	s6 =	sor.u32 s7, s17;
	[dreg:$0x4] =	wrdreg s21  }
0x10: {  	s7 =	sor.u32 $0x1C07, s19;
	s24 =	sshll.u32 s22, $0x5;
	s11 =	smax.u32 s11, $0x1  }
0x11: {  	s14 =	sshrl.u32 s14, $0x3;
	s17 =	simm.s32 $0x200;
	s19 =	simm.s32 $0x5A00  }
0x12: {  	s21 =	simm.s32 $0x2E00;
	s22 =	simm.s32 $0x180;
	s20 =	smul.u32 $0xE40, s6  }
0x13: {  	s10 =	sadd.s32 $0x7A400, s0;
	s25 =	sadd.s32 s23, s24;
	s26 =	sadd.s32 s1, s24  }
0x14: {  	s24 =	simm.s32 $0x1;
	s12 =	sadd.s32 $0x40, s25;
	s13 =	sadd.s32 $0x40, s26  }
0x15: {  	s25 =	simm.s32 $0x3;
	s26 =	simm.s32 $0x5;
	s8 =	sadd.s32 s1, s20  }
0x16: {  	s9 =	sadd.s32 s20, s23;
	s20 =	simm.s32 $0x100;
	s23 =	simm.s32 $0x8600  }
.LBB2_1:
0x17: {  	s0 =	rddreg [dreg:$0x4]  }
0x18: {  	[spmem:s14], [sflag:s7] =	dma.local [hbm:s0], $0x2800  }
0x19: {  	_ =	swait.ge [sflag:s15], $0x2800  }
0x1a: {  	[sflag:s15] =	ssyncset.done $0x0  }
0x1b: {  	[sflag:s15] =	ssyncadd.s32 $0xFFFFD800  }
0x1c: {  	[bflag:$0x0] =	sbarrier.arrive $0xFFFF  }
0x1d: {  	[tilespmem:s3], [sflag:$0x7] =	stream.linear.gather [hbm4b:s8+s3], $0x100, $0x38;
	[tilespmem:$0x1F200] =	vst v63  }
0x1e: {  	_ =	swait.ge [sflag:s15], $0x100  }
0x1f: {  	[sflag:s15] =	ssyncset.done $0x0  }
0x20: {  	[sflag:s15] =	ssyncadd.s32 $0xFFFFFF00  }
0x21: {  	[tilespmem:s17], [sflag:$0x1] =	stream.indirect.gather [hbm4b:s4+s16], $0x80, s3, s16, $0xb8;
	[tilespmem:$0x1F200] =	vst v63  }
0x22: {  	_ = 	snop  }
0x23: {  	[tilespmem:s19], [sflag:$0x3] =	stream.indirect.gather [hbm4b:s5+s16], $0x80, s18, s16, $0xb8;
	[tilespmem:$0x1F200] =	vst v63  }
0x24: {  	_ = 	snop  }
0x25: {  	[tilespmem:s20], [sflag:$0x7] =	stream.linear.gather [hbm4b:s9+s3], $0x100, $0x38;
	[tilespmem:$0x1F200] =	vst v63  }
0x26: {  	_ =	swait.ge [sflag:s15], $0x100  }
0x27: {  	[sflag:s15] =	ssyncset.done $0x0  }
0x28: {  	[sflag:s15] =	ssyncadd.s32 $0xFFFFFF00  }
0x29: {  	[tilespmem:s21], [sflag:$0x2] =	stream.indirect.gather [hbm4b:s4+s16], $0x80, s20, s16, $0xb8;
	[tilespmem:$0x1F200] =	vst v63  }
0x2a: {  	_ = 	snop  }
0x2b: {  	[tilespmem:s23], [sflag:$0x4] =	stream.indirect.gather [hbm4b:s5+s16], $0x80, s22, s16, $0xb8;
	[tilespmem:$0x1F200] =	vst v63  }
0x2c: {  	_ =	swait.ge [sflag:s24], $0x2C00  }
0x2d: {  	[sflag:s24] =	ssyncset.done $0x0  }
0x2e: {  	[sflag:s24] =	ssyncadd.s32 $0xFFFFD400  }
0x2f: {  	_ =	swait.ge [sflag:s25], $0x2C00  }
0x30: {  	[sflag:s25] =	ssyncset.done $0x0  }
0x31: {  	[sflag:s25] =	ssyncadd.s32 $0xFFFFD400  }
0x32: {  	[spmem:s2] =	stream.indirect.scatter.add.f32 [tilespmem:s17], [sflag:$0x5], $0x80, s18, s16, $0xb8;
	[tilespmem:$0x1F200] =	vst v63  }
0x33: {  	_ = 	snop  }
0x34: {  	[spmem:s2] =	stream.indirect.scatter.add.f32 [tilespmem:s19], [sflag:$0x1], $0x80, s3, s16, $0xb8;
	[tilespmem:$0x1F200] =	vst v63  }
0x35: {  	_ =	swait.ge [sflag:s26], $0x2C00  }
0x36: {  	[sflag:s26] =	ssyncset.done $0x0  }
0x37: {  	[sflag:s26] =	ssyncadd.s32 $0xFFFFD400  }
0x38: {  	_ =	swait.ge [sflag:s24], $0x2C00  }
0x39: {  	[sflag:s24] =	ssyncset.done $0x0  }
0x3a: {  	s1 =	sadd.s32 $0x0, s13;
	[sflag:s24] =	ssyncadd.s32 $0xFFFFD400  }
0x3b: {  	[tilespmem:s3], [sflag:$0x7] =	stream.linear.gather [hbm4b:s1+s3], $0x100, $0x38;
	[tilespmem:$0x1F200] =	vst v63  }
0x3c: {  	_ =	swait.ge [sflag:s15], $0x100  }
0x3d: {  	[sflag:s15] =	ssyncset.done $0x0  }
0x3e: {  	[sflag:s15] =	ssyncadd.s32 $0xFFFFFF00  }
0x3f: {  	[tilespmem:s17], [sflag:$0x1] =	stream.indirect.gather [hbm4b:s4+s16], $0x80, s3, s16, $0xb8;
	[tilespmem:$0x1F200] =	vst v63  }
0x40: {  	_ = 	snop  }
0x41: {  	[tilespmem:s19], [sflag:$0x3] =	stream.indirect.gather [hbm4b:s5+s16], $0x80, s18, s16, $0xb8;
	[tilespmem:$0x1F200] =	vst v63  }
0x42: {  	_ =	swait.ge [sflag:s28], $0x2C00  }
0x43: {  	[sflag:s28] =	ssyncset.done $0x0  }
0x44: {  	[sflag:s28] =	ssyncadd.s32 $0xFFFFD400  }
0x45: {  	_ =	swait.ge [sflag:s29], $0x2C00  }
0x46: {  	[sflag:s29] =	ssyncset.done $0x0  }
0x47: {  	[sflag:s29] =	ssyncadd.s32 $0xFFFFD400  }
0x48: {  	[spmem:s2] =	stream.indirect.scatter.add.f32 [tilespmem:s21], [sflag:$0x6], $0x80, s22, s16, $0xb8;
	[tilespmem:$0x1F200] =	vst v63  }
0x49: {  	_ = 	snop  }
0x4a: {  	[spmem:s2] =	stream.indirect.scatter.add.f32 [tilespmem:s23], [sflag:$0x2], $0x80, s20, s16, $0xb8;
	[tilespmem:$0x1F200] =	vst v63  }
0x4b: {  	_ =	swait.ge [sflag:s30], $0x2C00  }
0x4c: {  	[sflag:s30] =	ssyncset.done $0x0  }
0x4d: {  	[sflag:s30] =	ssyncadd.s32 $0xFFFFD400  }
0x4e: {  	_ =	swait.ge [sflag:s28], $0x2C00  }
0x4f: {  	[sflag:s28] =	ssyncset.done $0x0  }
0x50: {  	s6 =	sadd.s32 $0x0, s12;
	[sflag:s28] =	ssyncadd.s32 $0xFFFFD400  }
0x51: {  	[tilespmem:s20], [sflag:$0x7] =	stream.linear.gather [hbm4b:s6+s3], $0x100, $0x38;
	[tilespmem:$0x1F200] =	vst v63  }
0x52: {  	_ =	swait.ge [sflag:s15], $0x100  }
0x53: {  	[sflag:s15] =	ssyncset.done $0x0  }
0x54: {  	s0 =	simm.s32 $0x40;
	[sflag:s15] =	ssyncadd.s32 $0xFFFFFF00  }
0x55: {  	[tilespmem:s21], [sflag:$0x2] =	stream.indirect.gather [hbm4b:s4+s16], $0x80, s20, s16, $0xb8;
	[tilespmem:$0x1F200] =	vst v63  }
.LBB2_2:
0x56: {  	[tilespmem:s23], [sflag:$0x4] =	stream.indirect.gather [hbm4b:s5+s16], $0x80, s22, s16, $0xb8;
	[tilespmem:$0x1F200] =	vst v63  }
0x57: {  	s1 =	smov.u32 s0  }
0x58: {  	p0 =	sne.s32 s0, $0xDC0;
	s0 =	sadd.s32 $0x40, s0;
	_ =	swait.ge [sflag:s24], $0x2C00  }
0x59: {  	[sflag:s24] =	ssyncset.done $0x0  }
0x5a: {  	[sflag:s24] =	ssyncadd.s32 $0xFFFFD400  }
0x5b: {  	_ =	swait.ge [sflag:s25], $0x2C00  }
0x5c: {  	[sflag:s25] =	ssyncset.done $0x0  }
0x5d: {  	[sflag:s25] =	ssyncadd.s32 $0xFFFFD400  }
0x5e: {  	[spmem:s2] =	stream.indirect.scatter.add.f32 [tilespmem:s17], [sflag:$0x5], $0x80, s18, s16, $0xb8;
	[tilespmem:$0x1F200] =	vst v63  }
0x5f: {  	_ = 	snop  }
0x60: {  	[spmem:s2] =	stream.indirect.scatter.add.f32 [tilespmem:s19], [sflag:$0x1], $0x80, s3, s16, $0xb8;
	[tilespmem:$0x1F200] =	vst v63  }
0x61: {  	_ =	swait.ge [sflag:s26], $0x2C00  }
0x62: {  	[sflag:s26] =	ssyncset.done $0x0  }
0x63: {  	[sflag:s26] =	ssyncadd.s32 $0xFFFFD400  }
0x64: {  	_ =	swait.ge [sflag:s24], $0x2C00  }
0x65: {  	[sflag:s24] =	ssyncset.done $0x0  }
0x66: {  	s6 =	sadd.s32 s1, s13;
	[sflag:s24] =	ssyncadd.s32 $0xFFFFD400  }
0x67: {  	[tilespmem:s3], [sflag:$0x7] =	stream.linear.gather [hbm4b:s6+s3], $0x100, $0x38;
	[tilespmem:$0x1F200] =	vst v63  }
0x68: {  	_ =	swait.ge [sflag:s15], $0x100  }
0x69: {  	[sflag:s15] =	ssyncset.done $0x0  }
0x6a: {  	[sflag:s15] =	ssyncadd.s32 $0xFFFFFF00  }
0x6b: {  	[tilespmem:s17], [sflag:$0x1] =	stream.indirect.gather [hbm4b:s4+s16], $0x80, s3, s16, $0xb8;
	[tilespmem:$0x1F200] =	vst v63  }
0x6c: {  	_ = 	snop  }
0x6d: {  	[tilespmem:s19], [sflag:$0x3] =	stream.indirect.gather [hbm4b:s5+s16], $0x80, s18, s16, $0xb8;
	[tilespmem:$0x1F200] =	vst v63  }
0x6e: {  	_ =	swait.ge [sflag:s28], $0x2C00  }
0x6f: {  	[sflag:s28] =	ssyncset.done $0x0  }
0x70: {  	[sflag:s28] =	ssyncadd.s32 $0xFFFFD400  }
0x71: {  	_ =	swait.ge [sflag:s29], $0x2C00  }
0x72: {  	[sflag:s29] =	ssyncset.done $0x0  }
0x73: {  	[sflag:s29] =	ssyncadd.s32 $0xFFFFD400  }
0x74: {  	[spmem:s2] =	stream.indirect.scatter.add.f32 [tilespmem:s21], [sflag:$0x6], $0x80, s22, s16, $0xb8;
	[tilespmem:$0x1F200] =	vst v63  }
0x75: {  	_ = 	snop  }
0x76: {  	[spmem:s2] =	stream.indirect.scatter.add.f32 [tilespmem:s23], [sflag:$0x2], $0x80, s20, s16, $0xb8;
	[tilespmem:$0x1F200] =	vst v63  }
0x77: {  	_ =	swait.ge [sflag:s30], $0x2C00  }
0x78: {  	[sflag:s30] =	ssyncset.done $0x0  }
0x79: {  	[sflag:s30] =	ssyncadd.s32 $0xFFFFD400  }
0x7a: {  	_ =	swait.ge [sflag:s28], $0x2C00  }
0x7b: {  	[sflag:s28] =	ssyncset.done $0x0  }
0x7c: {  	s1 =	sadd.s32 s1, s12;
	[sflag:s28] =	ssyncadd.s32 $0xFFFFD400  }
0x7d: {  	[tilespmem:s20], [sflag:$0x7] =	stream.linear.gather [hbm4b:s1+s3], $0x100, $0x38;
	[tilespmem:$0x1F200] =	vst v63  }
.Ltmp0:
0x7e: {  	_ = 	snop;
	(pc) =	sbr.rel @p0 .LBB2_2-.Ltmp0, $4  }
0x7f: {  	_ =	swait.ge [sflag:s15], $0x100  }
0x80: {  	[sflag:s15] =	ssyncset.done $0x0  }
0x81: {  	[sflag:s15] =	ssyncadd.s32 $0xFFFFFF00  }
0x82: {  	[tilespmem:s21], [sflag:$0x2] =	stream.indirect.gather [hbm4b:s4+s16], $0x80, s20, s16, $0xb8;
	[tilespmem:$0x1F200] =	vst v63  }
0x83: {  	[tilespmem:s23], [sflag:$0x4] =	stream.indirect.gather [hbm4b:s5+s16], $0x80, s22, s16, $0xb8;
	[tilespmem:$0x1F200] =	vst v63  }
0x84: {  	_ =	swait.ge [sflag:s24], $0x2C00  }
0x85: {  	[sflag:s24] =	ssyncset.done $0x0  }
0x86: {  	[sflag:s24] =	ssyncadd.s32 $0xFFFFD400  }
0x87: {  	_ =	swait.ge [sflag:s25], $0x2C00  }
0x88: {  	[sflag:s25] =	ssyncset.done $0x0  }
0x89: {  	[sflag:s25] =	ssyncadd.s32 $0xFFFFD400  }
0x8a: {  	[spmem:s2] =	stream.indirect.scatter.add.f32 [tilespmem:s17], [sflag:$0x5], $0x80, s18, s16, $0xb8;
	[tilespmem:$0x1F200] =	vst v63  }
0x8b: {  	_ = 	snop  }
0x8c: {  	[spmem:s2] =	stream.indirect.scatter.add.f32 [tilespmem:s19], [sflag:$0x1], $0x80, s3, s16, $0xb8;
	[tilespmem:$0x1F200] =	vst v63  }
0x8d: {  	_ =	swait.ge [sflag:s26], $0x2C00  }
0x8e: {  	[sflag:s26] =	ssyncset.done $0x0  }
0x8f: {  	[sflag:s26] =	ssyncadd.s32 $0xFFFFD400  }
0x90: {  	_ =	swait.ge [sflag:s24], $0x2C00  }
0x91: {  	[sflag:s24] =	ssyncset.done $0x0  }
0x92: {  	[sflag:s24] =	ssyncadd.s32 $0xFFFFD400  }
0x93: {  	_ =	swait.ge [sflag:s28], $0x2C00  }
0x94: {  	[sflag:s28] =	ssyncset.done $0x0  }
0x95: {  	[sflag:s28] =	ssyncadd.s32 $0xFFFFD400  }
0x96: {  	_ =	swait.ge [sflag:s29], $0x2C00  }
0x97: {  	[sflag:s29] =	ssyncset.done $0x0  }
0x98: {  	[sflag:s29] =	ssyncadd.s32 $0xFFFFD400  }
0x99: {  	[spmem:s2] =	stream.indirect.scatter.add.f32 [tilespmem:s21], [sflag:$0x6], $0x80, s22, s16, $0xb8;
	[tilespmem:$0x1F200] =	vst v63  }
0x9a: {  	_ = 	snop  }
0x9b: {  	[spmem:s2] =	stream.indirect.scatter.add.f32 [tilespmem:s23], [sflag:$0x2], $0x80, s20, s16, $0xb8;
	[tilespmem:$0x1F200] =	vst v63  }
0x9c: {  	_ =	swait.ge [sflag:s30], $0x2C00  }
0x9d: {  	[sflag:s30] =	ssyncset.done $0x0  }
0x9e: {  	[sflag:s30] =	ssyncadd.s32 $0xFFFFD400  }
0x9f: {  	_ =	swait.ge [sflag:s28], $0x2C00  }
0xa0: {  	s31 =	sadd.s32 $0x1, s31;
	[sflag:s28] =	ssyncset.done $0x0  }
0xa1: {  	p0 =	sne.s32 s31, s11;
	[sflag:s28] =	ssyncadd.s32 $0xFFFFD400  }
.Ltmp1:
0xa2: {  	[bflag:$0x0] =	sbarrier.arrive $0xFFFF;
	(pc) =	sbr.rel @p0 .LBB2_1-.Ltmp1, $4  }
0xa3: {  	[hbm:s10], [sflag:s7] =	dma.local [spmem:s14], $0x2800  }
0xa4: {  	_ =	swait.ge [sflag:s15], $0x2800  }
0xa5: {  	[sflag:s15] =	ssyncset.done $0x0  }
0xa6: {  	[sflag:s15] =	ssyncadd.s32 $0xFFFFD800  }
0xa7: {  	_ =	sfence.sel $0x180000  }
0xa8: {  	[bflag:$0x0] =	sbarrier.arrive $0xFFFF  }
0xa9: {  	_ =	strace $0x90000047  }
0xaa: {  	s0 =	stileid.u32;
	[bflag:$0x2] =	sbarrier.arrive $0xFFFF  }
0xab: {  	p0 =	sne.s32 s0, $0x0;
	s0 =	rddreg [dreg:$0x3]  }
0xac: {  	s0 =	sadd.s32 @!p0 $0x100000, s0  }
0xad: {  	[sflag:s0] =	ssyncadd.tile.s32 @!p0 $0x1;
	_ =	shalt  }
.Lfunc_end2:
_tile_overlayer_lowered:
.L_overlay_start_2:
0xae: {  	(tag) =	ssettag $0x2  }
0xaf: {  	s0 =	rddreg [dreg:$0x0];
	s2 =	stileid.u32  }
0xb0: {  	s1 =	rddreg [dreg:$0x1];
	p0 =	sne.s32 s2, $0x0  }
0xb1: {  	s3 =	rddreg [dreg:$0x2];
	[bflag:$0x3] =	sbarrier.arrive $0xFFFF;
	s2 =	simm.s32 @!p0 $0x1C07  }
0xb2: {  	[timem:s3], [sflag:s2] =	dma.local @!p0 [hbm:s0], s1  }
0xb3: {  	s0 =	simm.s32 @!p0 $0x7  }
0xb4: {  	_ =	swait.ge @!p0 [sflag:s0], s1  }
0xb5: {  	s1 =	ssub.s32 @!p0 $0x0, s1;
	[sflag:s0] =	ssyncset.done @!p0 $0x0  }
0xb6: {  	[sflag:s0] =	ssyncadd.s32 @!p0 s1  }
0xb7: {  	[bflag:$0x3] =	sbarrier.arrive $0xFFFF  }
0xb8: {  	_ =	shalt  }

</sc_bundles>
